<compile_context>
chip_gen: v7x
topology: tpu7x:2x2x1
jax: 0.10.2.dev20260603
libtpu: 0.0.44.dev20260713+nightly
codegen_flags: <defaults>
</compile_context>

<pallas_src>
import functools

import jax
import jax.numpy as jnp
from jax import lax
from jax.experimental import pallas as pl
from jax.experimental.pallas import tpu as pltpu
from jax.experimental.pallas import tpu_sc as plsc

N_ROWS = 1600000
N_TILES = N_ROWS // 128
NW = 32
TJ = 14
CHUNKS_W = 28
H = CHUNKS_W // 2
COLS_C = TJ * 128

C1 = 0.5773500204086304
C2 = 0.7071099877357483
C3 = 0.40825000405311584
C4 = 0.8165000081062317


def _make_sc_kernel():
    mesh = plsc.VectorSubcoreMesh(core_axis_name="c", subcore_axis_name="s")

    @functools.partial(
        pl.kernel,
        mesh=mesh,
        compiler_params=pltpu.CompilerParams(needs_layout_passes=False),
        out_type=jax.ShapeDtypeStruct((16, N_ROWS), jnp.float32),
        scratch_types=[
            pltpu.VMEM((2, 4, COLS_C), jnp.float32),
            pltpu.VMEM((2, 4, COLS_C), jnp.float32),
            pltpu.VMEM((2, 16, COLS_C), jnp.float32),
            pltpu.SemaphoreType.DMA((2,)),
            pltpu.SemaphoreType.DMA((2,)),
            pltpu.SemaphoreType.DMA((2,)),
        ],
    )
    def sc_tp(in1_hbm, in2_hbm, out_hbm, a_v, b_v, o_v, sa, sb, so):
        wid = lax.axis_index("s") * 2 + lax.axis_index("c")

        def col0_of(c):
            g = c * NW + wid
            return jnp.minimum(g * TJ, N_TILES - TJ) * 128

        def start_in(c, p):
            col0 = col0_of(c)
            pltpu.make_async_copy(
                in1_hbm.at[:, pl.ds(col0, COLS_C)], a_v.at[p], sa.at[p]
            ).start()
            pltpu.make_async_copy(
                in2_hbm.at[:, pl.ds(col0, COLS_C)], b_v.at[p], sb.at[p]
            ).start()

        def wait_in(p):
            pltpu.make_async_copy(
                in1_hbm.at[:, pl.ds(0, COLS_C)], a_v.at[p], sa.at[p]
            ).wait()
            pltpu.make_async_copy(
                in2_hbm.at[:, pl.ds(0, COLS_C)], b_v.at[p], sb.at[p]
            ).wait()

        def start_out(c, p):
            col0 = col0_of(c)
            pltpu.make_async_copy(
                o_v.at[p], out_hbm.at[:, pl.ds(col0, COLS_C)], so.at[p]
            ).start()

        def wait_out(p):
            pltpu.make_async_copy(
                o_v.at[p], out_hbm.at[:, pl.ds(0, COLS_C)], so.at[p]
            ).wait()

        def compute(p):
            ap = a_v.at[p]
            bp = b_v.at[p]
            op = o_v.at[p]

            def grp(gi, carry):
                c0 = gi * 16
                a0 = ap[0, pl.ds(c0, 16)]
                a1 = ap[1, pl.ds(c0, 16)]
                a2 = ap[2, pl.ds(c0, 16)]
                a3 = ap[3, pl.ds(c0, 16)]
                b0 = bp[0, pl.ds(c0, 16)]
                b1 = bp[1, pl.ds(c0, 16)]
                b2 = bp[2, pl.ds(c0, 16)]
                b3 = bp[3, pl.ds(c0, 16)]

                p11 = a1 * b1
                p22 = a2 * b2
                p33 = a3 * b3
                p12 = a1 * b2
                p21 = a2 * b1
                p13 = a1 * b3
                p31 = a3 * b1
                p23 = a2 * b3
                p32 = a3 * b2

                op[0, pl.ds(c0, 16)] = a0 * b0
                op[1, pl.ds(c0, 16)] = C1 * p11 + C1 * p22 + C1 * p33
                op[2, pl.ds(c0, 16)] = a0 * b1
                op[3, pl.ds(c0, 16)] = a0 * b2
                op[4, pl.ds(c0, 16)] = a0 * b3
                op[5, pl.ds(c0, 16)] = a1 * b0
                op[6, pl.ds(c0, 16)] = a2 * b0
                op[7, pl.ds(c0, 16)] = a3 * b0
                op[8, pl.ds(c0, 16)] = C2 * p23 - C2 * p32
                op[9, pl.ds(c0, 16)] = C2 * p31 - C2 * p13
                op[10, pl.ds(c0, 16)] = C2 * p12 - C2 * p21
                op[11, pl.ds(c0, 16)] = C2 * p31 + C2 * p13
                op[12, pl.ds(c0, 16)] = C2 * p12 + C2 * p21
                op[13, pl.ds(c0, 16)] = C4 * p22 - C3 * p11 - C3 * p33
                op[14, pl.ds(c0, 16)] = C2 * p32 + C2 * p23
                op[15, pl.ds(c0, 16)] = C2 * p33 - C2 * p11
                return carry

            lax.fori_loop(0, TJ * 8, grp, 0, unroll=False)

        start_in(0, 0)

        def body(k2, carry):
            start_in(2 * k2 + 1, 1)
            wait_in(0)

            @pl.when(k2 > 0)
            def _():
                wait_out(0)

            compute(0)
            start_out(2 * k2, 0)

            @pl.when(k2 < H - 1)
            def _():
                start_in(2 * k2 + 2, 0)

            wait_in(1)

            @pl.when(k2 > 0)
            def _():
                wait_out(1)

            compute(1)
            start_out(2 * k2 + 1, 1)
            return carry

        lax.fori_loop(0, H, body, 0, unroll=False)
        wait_out(0)
        wait_out(1)

    return sc_tp


_SC_TP = _make_sc_kernel()


@jax.jit
def kernel(in1, in2):
    return _SC_TP(in1.T, in2.T).T

# --- scband reference (transcript-rebuilt; emitter-appended) ---
"""Pipeline reference for scband-cuda-tensor-product-65609920413716 (READ-ONLY COPY).

The authoritative reference and input builder live on the scoring server;
editing this copy changes nothing except your own understanding.
"""

import jax, jax.numpy as jnp
import numpy as np
import math

# irreps_in1 = irreps_in2 = '1x0e+1x1o'  ->  ls = [0, 1], dim = 4
LS1 = [0, 1]
LS2 = [0, 1]
N_ROWS = 1600000

def _change_basis_real_to_complex(l):
    q = np.zeros((2 * l + 1, 2 * l + 1), dtype=np.complex128)
    for m in range(-l, 0):
        q[l + m, l + abs(m)] = 1.0 / math.sqrt(2)
        q[l + m, l - abs(m)] = -1j / math.sqrt(2)
    q[l, l] = 1.0
    for m in range(1, l + 1):
        q[l + m, l + abs(m)] = (-1) ** m / math.sqrt(2)
        q[l + m, l - abs(m)] = 1j * (-1) ** m / math.sqrt(2)
    return ((-1j) ** l) * q

def _su2_cg(j1, m1, j2, m2, j3, m3):
    if m3 != m1 + m2:
        return 0.0
    f = lambda n: math.factorial(int(round(n)))
    vmin = int(max(-j1 + j2 + m3, -j1 + m1, 0))
    vmax = int(min(j2 + j3 + m1, j3 - j1 + j2, j3 + m3))
    C = math.sqrt((2.0 * j3 + 1.0) * f(j3 + j1 - j2) * f(j3 - j1 + j2) * f(j1 + j2 - j3) * f(j3 + m3) * f(j3 - m3) / (f(j1 + j2 + j3 + 1) * f(j1 - m1) * f(j1 + m1) * f(j2 - m2) * f(j2 + m2)))
    S = 0.0
    for v in range(vmin, vmax + 1):
        S += (-1.0) ** (v + j2 + m2) / f(v) * f(j2 + j3 + m1 - v) * f(j1 - m1 + v) / f(j3 - j1 + j2 - v) / f(j3 + m3 - v) / f(v + j1 - j2 - m3)
    return C * S

def _wigner_3j(l1, l2, l3):
    # real-basis wigner 3j, matching e3nn o3.wigner_3j (normalized to unit frobenius norm)
    C = np.zeros((2 * l1 + 1, 2 * l2 + 1, 2 * l3 + 1))
    for m1 in range(-l1, l1 + 1):
        for m2 in range(-l2, l2 + 1):
            m3 = m1 + m2
            if abs(m3) <= l3:
                C[l1 + m1, l2 + m2, l3 + m3] = _su2_cg(l1, m1, l2, m2, l3, m3)
    C = C.astype(np.complex128)
    Q1 = _change_basis_real_to_complex(l1)
    Q2 = _change_basis_real_to_complex(l2)
    Q3 = _change_basis_real_to_complex(l3)
    C = np.einsum('ij,kl,mn,ikn->jlm', Q1, Q2, np.conj(Q3.T), C)
    C = np.real(C)
    n = np.linalg.norm(C)
    if n > 0:
        C = C / n
    return C

def _build_tp_indices(ls1, ls2):
    # mirrors CudaTensorProduct.__init__ index construction (pre-compression)
    cb_matrix_layout = {}
    idx_in1 = 0
    for l1 in ls1:
        idx_in2 = 0
        for l2 in ls2:
            for l3 in range(abs(l1 - l2), l1 + l2 + 1):
                cb_matrix_layout.setdefault(l3, []).append((l1, l2, idx_in1, idx_in2))
            idx_in2 += 2 * l2 + 1
        idx_in1 += 2 * l1 + 1
    lmax2 = max(ls2)
    in1_idx, in2_idx, out_idx, vals = [], [], [], []
    row_offset = 0
    for l3 in sorted(cb_matrix_layout.keys()):
        mults = sorted(cb_matrix_layout[l3], key=lambda x: x[0] * lmax2 + x[1])
        for (l1, l2, o1, o2) in mults:
            cb = _wigner_3j(l1, l2, l3)
            for m3 in range(2 * l3 + 1):
                for m2 in range(2 * l2 + 1):
                    for m1 in range(2 * l1 + 1):
                        c = cb[m1, m2, m3]
                        if abs(c) < 1e-10:
                            continue
                        in1_idx.append(m1 + o1)
                        in2_idx.append(m2 + o2)
                        out_idx.append(m3 + row_offset)
                        vals.append(float(c * math.sqrt(2 * l3 + 1)))
            row_offset += 2 * l3 + 1
    dim1 = sum(2 * l + 1 for l in ls1)
    dim2 = sum(2 * l + 1 for l in ls2)
    return (np.asarray(in1_idx, np.int32), np.asarray(in2_idx, np.int32), np.asarray(out_idx, np.int32), np.asarray(vals, np.float32), dim1, dim2)

IN1_IDX, IN2_IDX, OUT_IDX, CB_VALS, DIM1, DIM2 = _build_tp_indices(LS1, LS2)

def setup_inputs(seed: int = 0) -> dict:
    key = jax.random.key(seed)
    k1, k2 = jax.random.split(key)
    in1 = jax.random.normal(k1, (N_ROWS, DIM1), dtype=jnp.float32)
    in2 = jax.random.normal(k2, (N_ROWS, DIM2), dtype=jnp.float32)
    return {'in1': in1, 'in2': in2}

def reference(in1, in2):
    # out[b, out_idx] += cb_val * in1[b, i1] * in2[b, i2]  (gather + scatter-add)
    vals = jnp.asarray(CB_VALS)
    prod = in1[:, IN1_IDX] * in2[:, IN2_IDX] * vals[None, :]
    out = jnp.zeros((in1.shape[0], DIM1 * DIM2), dtype=in1.dtype)
    out = out.at[:, OUT_IDX].add(prod)
    return out

if __name__ == "__main__":
    import jax
    _d = setup_inputs()
    print(jax.jit(kernel)(*tuple(_d.values())))

</pallas_src>

<mosaic_0001>
#map = affine_map<(d0, d1) -> (0, 0)>
module attributes {stable_mosaic.version = 14 : i64} {
  func.func @sc_tp(%arg0: i32, %arg1: i32, %arg2: memref<4x1600000xf32, #tpu.memory_space<hbm>>, %arg3: memref<4x1600000xf32, #tpu.memory_space<hbm>>, %arg4: memref<16x1600000xf32, #tpu.memory_space<hbm>>, %arg5: memref<2x4x1792xf32, #tpu.memory_space<vmem>>, %arg6: memref<2x4x1792xf32, #tpu.memory_space<vmem>>, %arg7: memref<2x16x1792xf32, #tpu.memory_space<vmem>>, %arg8: memref<2x!tpu.dma_semaphore, #tpu.memory_space<semaphore_mem>>, %arg9: memref<2x!tpu.dma_semaphore, #tpu.memory_space<semaphore_mem>>, %arg10: memref<2x!tpu.dma_semaphore, #tpu.memory_space<semaphore_mem>>) attributes {dimension_semantics = [#tpu.dimension_semantics<core_parallel>, #tpu.dimension_semantics<subcore_parallel>], iteration_bounds = array<i64: 2, 16>, scalar_prefetch = 0 : i64, scratch_operands = 6 : i64, tpu.core_type = #tpu.core_type<sc_vector_subcore>, window_params = [{transform_indices = #map}, {transform_indices = #map}, {transform_indices = #map}]} {
    %mul3A = arith.constant 2 : i32
    %mul3A_0 = arith.muli %arg1, %mul3A : i32
    %add3A = arith.addi %mul3A_0, %arg0 : i32
    %add3A_1 = arith.constant 0 : i32
    %add3A_2 = arith.addi %add3A_1, %add3A : i32
    %mul3A_3 = arith.constant 14 : i32
    %mul3A_4 = arith.muli %add3A_2, %mul3A_3 : i32
    %min3A = arith.constant 12486 : i32
    %min3A_5 = arith.minsi %mul3A_4, %min3A : i32
    %mul3A_6 = arith.constant 128 : i32
    %mul3A_7 = arith.muli %min3A_5, %mul3A_6 : i32
    %dma_start3A = arith.constant 0 : i32
    %dma_start3A_8 = arith.constant 0 : i32
    %dma_start3A_9 = arith.constant 0 : i32
    %dma_start3A_10 = arith.constant 0 : i32
    %dma_start3A_11 = tpu.memref_slice %arg5[%dma_start3A, %dma_start3A_9, %dma_start3A_10] : memref<2x4x1792xf32, #tpu.memory_space<vmem>> -> memref<1x4x1792xf32, #tpu.memory_space<vmem>>
    %dma_start3A_12 = tpu.memref_squeeze %dma_start3A_11 : memref<1x4x1792xf32, #tpu.memory_space<vmem>> -> memref<4x1792xf32, #tpu.memory_space<vmem>>
    %dma_start3A_13 = arith.constant 0 : i32
    %dma_start3A_14 = tpu.memref_slice %arg2[%dma_start3A_13, %mul3A_7] : memref<4x1600000xf32, #tpu.memory_space<hbm>> -> memref<4x1792xf32, #tpu.memory_space<hbm>>
    %dma_start3A_15 = tpu.memref_slice %arg8[%dma_start3A_8] : memref<2x!tpu.dma_semaphore, #tpu.memory_space<semaphore_mem>> -> memref<1x!tpu.dma_semaphore, #tpu.memory_space<semaphore_mem>>
    %dma_start3A_16 = tpu.memref_squeeze %dma_start3A_15 : memref<1x!tpu.dma_semaphore, #tpu.memory_space<semaphore_mem>> -> memref<!tpu.dma_semaphore, #tpu.memory_space<semaphore_mem>>
    %dma_start3A_17 = arith.constant 0 : i32
    %dma_start3A_18 = arith.constant 0 : i32
    %dma_start3A_19 = tpu.memref_slice %arg5[%dma_start3A, %dma_start3A_17, %dma_start3A_18] : memref<2x4x1792xf32, #tpu.memory_space<vmem>> -> memref<1x4x1792xf32, #tpu.memory_space<vmem>>
    %dma_start3A_20 = tpu.memref_squeeze %dma_start3A_19 : memref<1x4x1792xf32, #tpu.memory_space<vmem>> -> memref<4x1792xf32, #tpu.memory_space<vmem>>
    %dma_start3A_21 = arith.constant 0 : i32
    %dma_start3A_22 = tpu.memref_slice %arg2[%dma_start3A_21, %mul3A_7] : memref<4x1600000xf32, #tpu.memory_space<hbm>> -> memref<4x1792xf32, #tpu.memory_space<hbm>>
    tpu.enqueue_dma source(%dma_start3A_22 : memref<4x1792xf32, #tpu.memory_space<hbm>>) target(%dma_start3A_20 : memref<4x1792xf32, #tpu.memory_space<vmem>>) target_semaphore(%dma_start3A_16 : memref<!tpu.dma_semaphore, #tpu.memory_space<semaphore_mem>>)
    %dma_start3A_23 = arith.constant 0 : i32
    %dma_start3A_24 = arith.constant 0 : i32
    %dma_start3A_25 = arith.constant 0 : i32
    %dma_start3A_26 = arith.constant 0 : i32
    %dma_start3A_27 = tpu.memref_slice %arg6[%dma_start3A_23, %dma_start3A_25, %dma_start3A_26] : memref<2x4x1792xf32, #tpu.memory_space<vmem>> -> memref<1x4x1792xf32, #tpu.memory_space<vmem>>
    %dma_start3A_28 = tpu.memref_squeeze %dma_start3A_27 : memref<1x4x1792xf32, #tpu.memory_space<vmem>> -> memref<4x1792xf32, #tpu.memory_space<vmem>>
    %dma_start3A_29 = arith.constant 0 : i32
    %dma_start3A_30 = tpu.memref_slice %arg3[%dma_start3A_29, %mul3A_7] : memref<4x1600000xf32, #tpu.memory_space<hbm>> -> memref<4x1792xf32, #tpu.memory_space<hbm>>
    %dma_start3A_31 = tpu.memref_slice %arg9[%dma_start3A_24] : memref<2x!tpu.dma_semaphore, #tpu.memory_space<semaphore_mem>> -> memref<1x!tpu.dma_semaphore, #tpu.memory_space<semaphore_mem>>
    %dma_start3A_32 = tpu.memref_squeeze %dma_start3A_31 : memref<1x!tpu.dma_semaphore, #tpu.memory_space<semaphore_mem>> -> memref<!tpu.dma_semaphore, #tpu.memory_space<semaphore_mem>>
    %dma_start3A_33 = arith.constant 0 : i32
    %dma_start3A_34 = arith.constant 0 : i32
    %dma_start3A_35 = tpu.memref_slice %arg6[%dma_start3A_23, %dma_start3A_33, %dma_start3A_34] : memref<2x4x1792xf32, #tpu.memory_space<vmem>> -> memref<1x4x1792xf32, #tpu.memory_space<vmem>>
    %dma_start3A_36 = tpu.memref_squeeze %dma_start3A_35 : memref<1x4x1792xf32, #tpu.memory_space<vmem>> -> memref<4x1792xf32, #tpu.memory_space<vmem>>
    %dma_start3A_37 = arith.constant 0 : i32
    %dma_start3A_38 = tpu.memref_slice %arg3[%dma_start3A_37, %mul3A_7] : memref<4x1600000xf32, #tpu.memory_space<hbm>> -> memref<4x1792xf32, #tpu.memory_space<hbm>>
    tpu.enqueue_dma source(%dma_start3A_38 : memref<4x1792xf32, #tpu.memory_space<hbm>>) target(%dma_start3A_36 : memref<4x1792xf32, #tpu.memory_space<vmem>>) target_semaphore(%dma_start3A_32 : memref<!tpu.dma_semaphore, #tpu.memory_space<semaphore_mem>>)
    %scan3A = arith.constant 0 : i32
    %scan3A_39 = arith.constant 0 : i32
    %scan3A_40 = arith.constant 14 : i32
    %scan3A_41 = arith.addi %scan3A_39, %scan3A_40 : i32
    %scan3A_42 = arith.constant 1 : i32
    scf.for %scan3A_79 = %scan3A_39 to %scan3A_41 step %scan3A_42  : i32 {
      %mul3A_80 = arith.constant 2 : i32
      %mul3A_81 = arith.muli %mul3A_80, %scan3A_79 : i32
      %add3A_82 = arith.constant 1 : i32
      %add3A_83 = arith.addi %mul3A_81, %add3A_82 : i32
      %mul3A_84 = arith.constant 32 : i32
      %mul3A_85 = arith.muli %add3A_83, %mul3A_84 : i32
      %add3A_86 = arith.addi %mul3A_85, %add3A : i32
      %mul3A_87 = arith.constant 14 : i32
      %mul3A_88 = arith.muli %add3A_86, %mul3A_87 : i32
      %min3A_89 = arith.constant 12486 : i32
      %min3A_90 = arith.minsi %mul3A_88, %min3A_89 : i32
      %mul3A_91 = arith.constant 128 : i32
      %mul3A_92 = arith.muli %min3A_90, %mul3A_91 : i32
      %dma_start3A_93 = arith.constant 1 : i32
      %dma_start3A_94 = arith.constant 1 : i32
      %dma_start3A_95 = arith.constant 0 : i32
      %dma_start3A_96 = arith.constant 0 : i32
      %dma_start3A_97 = tpu.memref_slice %arg5[%dma_start3A_93, %dma_start3A_95, %dma_start3A_96] : memref<2x4x1792xf32, #tpu.memory_space<vmem>> -> memref<1x4x1792xf32, #tpu.memory_space<vmem>>
      %dma_start3A_98 = tpu.memref_squeeze %dma_start3A_97 : memref<1x4x1792xf32, #tpu.memory_space<vmem>> -> memref<4x1792xf32, #tpu.memory_space<vmem>>
      %dma_start3A_99 = arith.constant 0 : i32
      %dma_start3A_100 = tpu.memref_slice %arg2[%dma_start3A_99, %mul3A_92] : memref<4x1600000xf32, #tpu.memory_space<hbm>> -> memref<4x1792xf32, #tpu.memory_space<hbm>>
      %dma_start3A_101 = tpu.memref_slice %arg8[%dma_start3A_94] : memref<2x!tpu.dma_semaphore, #tpu.memory_space<semaphore_mem>> -> memref<1x!tpu.dma_semaphore, #tpu.memory_space<semaphore_mem>>
      %dma_start3A_102 = tpu.memref_squeeze %dma_start3A_101 : memref<1x!tpu.dma_semaphore, #tpu.memory_space<semaphore_mem>> -> memref<!tpu.dma_semaphore, #tpu.memory_space<semaphore_mem>>
      %dma_start3A_103 = arith.constant 0 : i32
      %dma_start3A_104 = arith.constant 0 : i32
      %dma_start3A_105 = tpu.memref_slice %arg5[%dma_start3A_93, %dma_start3A_103, %dma_start3A_104] : memref<2x4x1792xf32, #tpu.memory_space<vmem>> -> memref<1x4x1792xf32, #tpu.memory_space<vmem>>
      %dma_start3A_106 = tpu.memref_squeeze %dma_start3A_105 : memref<1x4x1792xf32, #tpu.memory_space<vmem>> -> memref<4x1792xf32, #tpu.memory_space<vmem>>
      %dma_start3A_107 = arith.constant 0 : i32
      %dma_start3A_108 = tpu.memref_slice %arg2[%dma_start3A_107, %mul3A_92] : memref<4x1600000xf32, #tpu.memory_space<hbm>> -> memref<4x1792xf32, #tpu.memory_space<hbm>>
      tpu.enqueue_dma source(%dma_start3A_108 : memref<4x1792xf32, #tpu.memory_space<hbm>>) target(%dma_start3A_106 : memref<4x1792xf32, #tpu.memory_space<vmem>>) target_semaphore(%dma_start3A_102 : memref<!tpu.dma_semaphore, #tpu.memory_space<semaphore_mem>>)
      %dma_start3A_109 = arith.constant 1 : i32
      %dma_start3A_110 = arith.constant 1 : i32
      %dma_start3A_111 = arith.constant 0 : i32
      %dma_start3A_112 = arith.constant 0 : i32
      %dma_start3A_113 = tpu.memref_slice %arg6[%dma_start3A_109, %dma_start3A_111, %dma_start3A_112] : memref<2x4x1792xf32, #tpu.memory_space<vmem>> -> memref<1x4x1792xf32, #tpu.memory_space<vmem>>
      %dma_start3A_114 = tpu.memref_squeeze %dma_start3A_113 : memref<1x4x1792xf32, #tpu.memory_space<vmem>> -> memref<4x1792xf32, #tpu.memory_space<vmem>>
      %dma_start3A_115 = arith.constant 0 : i32
      %dma_start3A_116 = tpu.memref_slice %arg3[%dma_start3A_115, %mul3A_92] : memref<4x1600000xf32, #tpu.memory_space<hbm>> -> memref<4x1792xf32, #tpu.memory_space<hbm>>
      %dma_start3A_117 = tpu.memref_slice %arg9[%dma_start3A_110] : memref<2x!tpu.dma_semaphore, #tpu.memory_space<semaphore_mem>> -> memref<1x!tpu.dma_semaphore, #tpu.memory_space<semaphore_mem>>
      %dma_start3A_118 = tpu.memref_squeeze %dma_start3A_117 : memref<1x!tpu.dma_semaphore, #tpu.memory_space<semaphore_mem>> -> memref<!tpu.dma_semaphore, #tpu.memory_space<semaphore_mem>>
      %dma_start3A_119 = arith.constant 0 : i32
      %dma_start3A_120 = arith.constant 0 : i32
      %dma_start3A_121 = tpu.memref_slice %arg6[%dma_start3A_109, %dma_start3A_119, %dma_start3A_120] : memref<2x4x1792xf32, #tpu.memory_space<vmem>> -> memref<1x4x1792xf32, #tpu.memory_space<vmem>>
      %dma_start3A_122 = tpu.memref_squeeze %dma_start3A_121 : memref<1x4x1792xf32, #tpu.memory_space<vmem>> -> memref<4x1792xf32, #tpu.memory_space<vmem>>
      %dma_start3A_123 = arith.constant 0 : i32
      %dma_start3A_124 = tpu.memref_slice %arg3[%dma_start3A_123, %mul3A_92] : memref<4x1600000xf32, #tpu.memory_space<hbm>> -> memref<4x1792xf32, #tpu.memory_space<hbm>>
      tpu.enqueue_dma source(%dma_start3A_124 : memref<4x1792xf32, #tpu.memory_space<hbm>>) target(%dma_start3A_122 : memref<4x1792xf32, #tpu.memory_space<vmem>>) target_semaphore(%dma_start3A_118 : memref<!tpu.dma_semaphore, #tpu.memory_space<semaphore_mem>>)
      %dma_wait3A_125 = arith.constant 0 : i32
      %dma_wait3A_126 = arith.constant 0 : i32
      %dma_wait3A_127 = arith.constant 0 : i32
      %dma_wait3A_128 = arith.constant 0 : i32
      %dma_wait3A_129 = tpu.memref_slice %arg5[%dma_wait3A_125, %dma_wait3A_127, %dma_wait3A_128] : memref<2x4x1792xf32, #tpu.memory_space<vmem>> -> memref<1x4x1792xf32, #tpu.memory_space<vmem>>
      %dma_wait3A_130 = tpu.memref_squeeze %dma_wait3A_129 : memref<1x4x1792xf32, #tpu.memory_space<vmem>> -> memref<4x1792xf32, #tpu.memory_space<vmem>>
      %dma_wait3A_131 = arith.constant 0 : i32
      %dma_wait3A_132 = arith.constant 0 : i32
      %dma_wait3A_133 = tpu.memref_slice %arg2[%dma_wait3A_131, %dma_wait3A_132] : memref<4x1600000xf32, #tpu.memory_space<hbm>> -> memref<4x1792xf32, #tpu.memory_space<hbm>>
      %dma_wait3A_134 = tpu.memref_slice %arg8[%dma_wait3A_126] : memref<2x!tpu.dma_semaphore, #tpu.memory_space<semaphore_mem>> -> memref<1x!tpu.dma_semaphore, #tpu.memory_space<semaphore_mem>>
      %dma_wait3A_135 = tpu.memref_squeeze %dma_wait3A_134 : memref<1x!tpu.dma_semaphore, #tpu.memory_space<semaphore_mem>> -> memref<!tpu.dma_semaphore, #tpu.memory_space<semaphore_mem>>
      %dma_wait3A_136 = arith.constant 0 : i32
      %dma_wait3A_137 = arith.constant 0 : i32
      %dma_wait3A_138 = tpu.memref_slice %arg5[%dma_wait3A_125, %dma_wait3A_136, %dma_wait3A_137] : memref<2x4x1792xf32, #tpu.memory_space<vmem>> -> memref<1x4x1792xf32, #tpu.memory_space<vmem>>
      %dma_wait3A_139 = tpu.memref_squeeze %dma_wait3A_138 : memref<1x4x1792xf32, #tpu.memory_space<vmem>> -> memref<4x1792xf32, #tpu.memory_space<vmem>>
      %dma_wait3A_140 = arith.constant 0 : i32
      %dma_wait3A_141 = arith.constant 0 : i32
      %dma_wait3A_142 = tpu.memref_slice %arg2[%dma_wait3A_140, %dma_wait3A_141] : memref<4x1600000xf32, #tpu.memory_space<hbm>> -> memref<4x1792xf32, #tpu.memory_space<hbm>>
      tpu.wait_dma2 semaphore(%dma_wait3A_135 : memref<!tpu.dma_semaphore, #tpu.memory_space<semaphore_mem>>) src(%dma_wait3A_142 : memref<4x1792xf32, #tpu.memory_space<hbm>>) dst(%dma_wait3A_139 : memref<4x1792xf32, #tpu.memory_space<vmem>>)
      %dma_wait3A_143 = arith.constant 0 : i32
      %dma_wait3A_144 = arith.constant 0 : i32
      %dma_wait3A_145 = arith.constant 0 : i32
      %dma_wait3A_146 = arith.constant 0 : i32
      %dma_wait3A_147 = tpu.memref_slice %arg6[%dma_wait3A_143, %dma_wait3A_145, %dma_wait3A_146] : memref<2x4x1792xf32, #tpu.memory_space<vmem>> -> memref<1x4x1792xf32, #tpu.memory_space<vmem>>
      %dma_wait3A_148 = tpu.memref_squeeze %dma_wait3A_147 : memref<1x4x1792xf32, #tpu.memory_space<vmem>> -> memref<4x1792xf32, #tpu.memory_space<vmem>>
      %dma_wait3A_149 = arith.constant 0 : i32
      %dma_wait3A_150 = arith.constant 0 : i32
      %dma_wait3A_151 = tpu.memref_slice %arg3[%dma_wait3A_149, %dma_wait3A_150] : memref<4x1600000xf32, #tpu.memory_space<hbm>> -> memref<4x1792xf32, #tpu.memory_space<hbm>>
      %dma_wait3A_152 = tpu.memref_slice %arg9[%dma_wait3A_144] : memref<2x!tpu.dma_semaphore, #tpu.memory_space<semaphore_mem>> -> memref<1x!tpu.dma_semaphore, #tpu.memory_space<semaphore_mem>>
      %dma_wait3A_153 = tpu.memref_squeeze %dma_wait3A_152 : memref<1x!tpu.dma_semaphore, #tpu.memory_space<semaphore_mem>> -> memref<!tpu.dma_semaphore, #tpu.memory_space<semaphore_mem>>
      %dma_wait3A_154 = arith.constant 0 : i32
      %dma_wait3A_155 = arith.constant 0 : i32
      %dma_wait3A_156 = tpu.memref_slice %arg6[%dma_wait3A_143, %dma_wait3A_154, %dma_wait3A_155] : memref<2x4x1792xf32, #tpu.memory_space<vmem>> -> memref<1x4x1792xf32, #tpu.memory_space<vmem>>
      %dma_wait3A_157 = tpu.memref_squeeze %dma_wait3A_156 : memref<1x4x1792xf32, #tpu.memory_space<vmem>> -> memref<4x1792xf32, #tpu.memory_space<vmem>>
      %dma_wait3A_158 = arith.constant 0 : i32
      %dma_wait3A_159 = arith.constant 0 : i32
      %dma_wait3A_160 = tpu.memref_slice %arg3[%dma_wait3A_158, %dma_wait3A_159] : memref<4x1600000xf32, #tpu.memory_space<hbm>> -> memref<4x1792xf32, #tpu.memory_space<hbm>>
      tpu.wait_dma2 semaphore(%dma_wait3A_153 : memref<!tpu.dma_semaphore, #tpu.memory_space<semaphore_mem>>) src(%dma_wait3A_160 : memref<4x1792xf32, #tpu.memory_space<hbm>>) dst(%dma_wait3A_157 : memref<4x1792xf32, #tpu.memory_space<vmem>>)
      %gt3A = arith.constant 0 : i32
      %gt3A_161 = arith.cmpi sgt, %scan3A_79, %gt3A : i32
      %convert_element_type3A = arith.extui %gt3A_161 : i1 to i32
      %cond3A = arith.constant 0 : i32
      %cond3A_162 = arith.cmpi ne, %convert_element_type3A, %cond3A : i32
      scf.if %cond3A_162 {
        %dma_wait3A_282 = arith.constant 0 : i32
        %dma_wait3A_283 = arith.constant 0 : i32
        %dma_wait3A_284 = arith.constant 0 : i32
        %dma_wait3A_285 = arith.constant 0 : i32
        %dma_wait3A_286 = tpu.memref_slice %arg7[%dma_wait3A_282, %dma_wait3A_284, %dma_wait3A_285] : memref<2x16x1792xf32, #tpu.memory_space<vmem>> -> memref<1x16x1792xf32, #tpu.memory_space<vmem>>
        %dma_wait3A_287 = tpu.memref_squeeze %dma_wait3A_286 : memref<1x16x1792xf32, #tpu.memory_space<vmem>> -> memref<16x1792xf32, #tpu.memory_space<vmem>>
        %dma_wait3A_288 = arith.constant 0 : i32
        %dma_wait3A_289 = arith.constant 0 : i32
        %dma_wait3A_290 = tpu.memref_slice %arg4[%dma_wait3A_288, %dma_wait3A_289] : memref<16x1600000xf32, #tpu.memory_space<hbm>> -> memref<16x1792xf32, #tpu.memory_space<hbm>>
        %dma_wait3A_291 = tpu.memref_slice %arg10[%dma_wait3A_283] : memref<2x!tpu.dma_semaphore, #tpu.memory_space<semaphore_mem>> -> memref<1x!tpu.dma_semaphore, #tpu.memory_space<semaphore_mem>>
        %dma_wait3A_292 = tpu.memref_squeeze %dma_wait3A_291 : memref<1x!tpu.dma_semaphore, #tpu.memory_space<semaphore_mem>> -> memref<!tpu.dma_semaphore, #tpu.memory_space<semaphore_mem>>
        %dma_wait3A_293 = arith.constant 0 : i32
        %dma_wait3A_294 = arith.constant 0 : i32
        %dma_wait3A_295 = tpu.memref_slice %arg4[%dma_wait3A_293, %dma_wait3A_294] : memref<16x1600000xf32, #tpu.memory_space<hbm>> -> memref<16x1792xf32, #tpu.memory_space<hbm>>
        %dma_wait3A_296 = arith.constant 0 : i32
        %dma_wait3A_297 = arith.constant 0 : i32
        %dma_wait3A_298 = tpu.memref_slice %arg7[%dma_wait3A_282, %dma_wait3A_296, %dma_wait3A_297] : memref<2x16x1792xf32, #tpu.memory_space<vmem>> -> memref<1x16x1792xf32, #tpu.memory_space<vmem>>
        %dma_wait3A_299 = tpu.memref_squeeze %dma_wait3A_298 : memref<1x16x1792xf32, #tpu.memory_space<vmem>> -> memref<16x1792xf32, #tpu.memory_space<vmem>>
        tpu.wait_dma2 semaphore(%dma_wait3A_292 : memref<!tpu.dma_semaphore, #tpu.memory_space<semaphore_mem>>) src(%dma_wait3A_299 : memref<16x1792xf32, #tpu.memory_space<vmem>>) dst(%dma_wait3A_295 : memref<16x1792xf32, #tpu.memory_space<hbm>>)
      } else {
      }
      %scan3A_163 = arith.constant 0 : i32
      %scan3A_164 = arith.constant 0 : i32
      %scan3A_165 = arith.constant 0 : i32
      %scan3A_166 = arith.constant 0 : i32
      %scan3A_167 = arith.constant 0 : i32
      %scan3A_168 = arith.constant 112 : i32
      %scan3A_169 = arith.addi %scan3A_167, %scan3A_168 : i32
      %scan3A_170 = arith.constant 1 : i32
      scf.for %scan3A_282 = %scan3A_167 to %scan3A_169 step %scan3A_170  : i32 {
        %mul3A_283 = arith.constant 16 : i32
        %mul3A_284 = arith.muli %scan3A_282, %mul3A_283 : i32
        %get3A = arith.constant 0 : i32
        %get3A_285 = arith.constant 0 : i32
        %get3A_286 = arith.constant 0 : i32
        %get3A_287 = tpu.memref_slice %arg5[%scan3A_164, %get3A_285, %get3A_286] : memref<2x4x1792xf32, #tpu.memory_space<vmem>> -> memref<1x4x1792xf32, #tpu.memory_space<vmem>>
        %get3A_288 = tpu.memref_squeeze %get3A_287 : memref<1x4x1792xf32, #tpu.memory_space<vmem>> -> memref<4x1792xf32, #tpu.memory_space<vmem>>
        %get3A_289 = arith.index_cast %get3A : i32 to index
        %get3A_290 = arith.index_cast %mul3A_284 : i32 to index
        %get3A_291 = tpu.vector_load %get3A_288[%get3A_289, %get3A_290] {strides = array<i32>} : memref<4x1792xf32, #tpu.memory_space<vmem>>, vector<16xf32>,
        %get3A_292 = arith.constant 1 : i32
        %get3A_293 = arith.constant 0 : i32
        %get3A_294 = arith.constant 0 : i32
        %get3A_295 = tpu.memref_slice %arg5[%scan3A_164, %get3A_293, %get3A_294] : memref<2x4x1792xf32, #tpu.memory_space<vmem>> -> memref<1x4x1792xf32, #tpu.memory_space<vmem>>
        %get3A_296 = tpu.memref_squeeze %get3A_295 : memref<1x4x1792xf32, #tpu.memory_space<vmem>> -> memref<4x1792xf32, #tpu.memory_space<vmem>>
        %get3A_297 = arith.index_cast %get3A_292 : i32 to index
        %get3A_298 = arith.index_cast %mul3A_284 : i32 to index
        %get3A_299 = tpu.vector_load %get3A_296[%get3A_297, %get3A_298] {strides = array<i32>} : memref<4x1792xf32, #tpu.memory_space<vmem>>, vector<16xf32>,
        %get3A_300 = arith.constant 2 : i32
        %get3A_301 = arith.constant 0 : i32
        %get3A_302 = arith.constant 0 : i32
        %get3A_303 = tpu.memref_slice %arg5[%scan3A_164, %get3A_301, %get3A_302] : memref<2x4x1792xf32, #tpu.memory_space<vmem>> -> memref<1x4x1792xf32, #tpu.memory_space<vmem>>
        %get3A_304 = tpu.memref_squeeze %get3A_303 : memref<1x4x1792xf32, #tpu.memory_space<vmem>> -> memref<4x1792xf32, #tpu.memory_space<vmem>>
        %get3A_305 = arith.index_cast %get3A_300 : i32 to index
        %get3A_306 = arith.index_cast %mul3A_284 : i32 to index
        %get3A_307 = tpu.vector_load %get3A_304[%get3A_305, %get3A_306] {strides = array<i32>} : memref<4x1792xf32, #tpu.memory_space<vmem>>, vector<16xf32>,
        %get3A_308 = arith.constant 3 : i32
        %get3A_309 = arith.constant 0 : i32
        %get3A_310 = arith.constant 0 : i32
        %get3A_311 = tpu.memref_slice %arg5[%scan3A_164, %get3A_309, %get3A_310] : memref<2x4x1792xf32, #tpu.memory_space<vmem>> -> memref<1x4x1792xf32, #tpu.memory_space<vmem>>
        %get3A_312 = tpu.memref_squeeze %get3A_311 : memref<1x4x1792xf32, #tpu.memory_space<vmem>> -> memref<4x1792xf32, #tpu.memory_space<vmem>>
        %get3A_313 = arith.index_cast %get3A_308 : i32 to index
        %get3A_314 = arith.index_cast %mul3A_284 : i32 to index
        %get3A_315 = tpu.vector_load %get3A_312[%get3A_313, %get3A_314] {strides = array<i32>} : memref<4x1792xf32, #tpu.memory_space<vmem>>, vector<16xf32>,
        %get3A_316 = arith.constant 0 : i32
        %get3A_317 = arith.constant 0 : i32
        %get3A_318 = arith.constant 0 : i32
        %get3A_319 = tpu.memref_slice %arg6[%scan3A_165, %get3A_317, %get3A_318] : memref<2x4x1792xf32, #tpu.memory_space<vmem>> -> memref<1x4x1792xf32, #tpu.memory_space<vmem>>
        %get3A_320 = tpu.memref_squeeze %get3A_319 : memref<1x4x1792xf32, #tpu.memory_space<vmem>> -> memref<4x1792xf32, #tpu.memory_space<vmem>>
        %get3A_321 = arith.index_cast %get3A_316 : i32 to index
        %get3A_322 = arith.index_cast %mul3A_284 : i32 to index
        %get3A_323 = tpu.vector_load %get3A_320[%get3A_321, %get3A_322] {strides = array<i32>} : memref<4x1792xf32, #tpu.memory_space<vmem>>, vector<16xf32>,
        %get3A_324 = arith.constant 1 : i32
        %get3A_325 = arith.constant 0 : i32
        %get3A_326 = arith.constant 0 : i32
        %get3A_327 = tpu.memref_slice %arg6[%scan3A_165, %get3A_325, %get3A_326] : memref<2x4x1792xf32, #tpu.memory_space<vmem>> -> memref<1x4x1792xf32, #tpu.memory_space<vmem>>
        %get3A_328 = tpu.memref_squeeze %get3A_327 : memref<1x4x1792xf32, #tpu.memory_space<vmem>> -> memref<4x1792xf32, #tpu.memory_space<vmem>>
        %get3A_329 = arith.index_cast %get3A_324 : i32 to index
        %get3A_330 = arith.index_cast %mul3A_284 : i32 to index
        %get3A_331 = tpu.vector_load %get3A_328[%get3A_329, %get3A_330] {strides = array<i32>} : memref<4x1792xf32, #tpu.memory_space<vmem>>, vector<16xf32>,
        %get3A_332 = arith.constant 2 : i32
        %get3A_333 = arith.constant 0 : i32
        %get3A_334 = arith.constant 0 : i32
        %get3A_335 = tpu.memref_slice %arg6[%scan3A_165, %get3A_333, %get3A_334] : memref<2x4x1792xf32, #tpu.memory_space<vmem>> -> memref<1x4x1792xf32, #tpu.memory_space<vmem>>
        %get3A_336 = tpu.memref_squeeze %get3A_335 : memref<1x4x1792xf32, #tpu.memory_space<vmem>> -> memref<4x1792xf32, #tpu.memory_space<vmem>>
        %get3A_337 = arith.index_cast %get3A_332 : i32 to index
        %get3A_338 = arith.index_cast %mul3A_284 : i32 to index
        %get3A_339 = tpu.vector_load %get3A_336[%get3A_337, %get3A_338] {strides = array<i32>} : memref<4x1792xf32, #tpu.memory_space<vmem>>, vector<16xf32>,
        %get3A_340 = arith.constant 3 : i32
        %get3A_341 = arith.constant 0 : i32
        %get3A_342 = arith.constant 0 : i32
        %get3A_343 = tpu.memref_slice %arg6[%scan3A_165, %get3A_341, %get3A_342] : memref<2x4x1792xf32, #tpu.memory_space<vmem>> -> memref<1x4x1792xf32, #tpu.memory_space<vmem>>
        %get3A_344 = tpu.memref_squeeze %get3A_343 : memref<1x4x1792xf32, #tpu.memory_space<vmem>> -> memref<4x1792xf32, #tpu.memory_space<vmem>>
        %get3A_345 = arith.index_cast %get3A_340 : i32 to index
        %get3A_346 = arith.index_cast %mul3A_284 : i32 to index
        %get3A_347 = tpu.vector_load %get3A_344[%get3A_345, %get3A_346] {strides = array<i32>} : memref<4x1792xf32, #tpu.memory_space<vmem>>, vector<16xf32>,
        %mul3A_348 = arith.mulf %get3A_299, %get3A_331 : vector<16xf32>
        %mul3A_349 = arith.mulf %get3A_307, %get3A_339 : vector<16xf32>
        %mul3A_350 = arith.mulf %get3A_315, %get3A_347 : vector<16xf32>
        %mul3A_351 = arith.mulf %get3A_299, %get3A_339 : vector<16xf32>
        %mul3A_352 = arith.mulf %get3A_307, %get3A_331 : vector<16xf32>
        %mul3A_353 = arith.mulf %get3A_299, %get3A_347 : vector<16xf32>
        %mul3A_354 = arith.mulf %get3A_315, %get3A_331 : vector<16xf32>
        %mul3A_355 = arith.mulf %get3A_307, %get3A_347 : vector<16xf32>
        %mul3A_356 = arith.mulf %get3A_315, %get3A_339 : vector<16xf32>
        %mul3A_357 = arith.mulf %get3A_291, %get3A_323 : vector<16xf32>
        %swap3A = arith.constant 0 : i32
        %swap3A_358 = arith.constant 0 : i32
        %swap3A_359 = arith.constant 0 : i32
        %swap3A_360 = tpu.memref_slice %arg7[%scan3A_166, %swap3A_358, %swap3A_359] : memref<2x16x1792xf32, #tpu.memory_space<vmem>> -> memref<1x16x1792xf32, #tpu.memory_space<vmem>>
        %swap3A_361 = tpu.memref_squeeze %swap3A_360 : memref<1x16x1792xf32, #tpu.memory_space<vmem>> -> memref<16x1792xf32, #tpu.memory_space<vmem>>
        %swap3A_362 = arith.index_cast %swap3A : i32 to index
        %swap3A_363 = arith.index_cast %mul3A_284 : i32 to index
        %swap3A_364 = tpu.vector_load %swap3A_361[%swap3A_362, %swap3A_363] {strides = array<i32>} : memref<16x1792xf32, #tpu.memory_space<vmem>>, vector<16xf32>,
        tpu.vector_store %swap3A_361[%swap3A_362, %swap3A_363], %mul3A_357 {strides = array<i32>} : memref<16x1792xf32, #tpu.memory_space<vmem>>, vector<16xf32>,
        %mul3A_365 = arith.constant 5.773500e-01 : f32
        %mul3A_366 = vector.broadcast %mul3A_365 : f32 to vector<16xf32>
        %mul3A_367 = arith.mulf %mul3A_366, %mul3A_348 : vector<16xf32>
        %mul3A_368 = arith.constant 5.773500e-01 : f32
        %mul3A_369 = vector.broadcast %mul3A_368 : f32 to vector<16xf32>
        %mul3A_370 = arith.mulf %mul3A_369, %mul3A_349 : vector<16xf32>
        %add3A_371 = arith.addf %mul3A_367, %mul3A_370 : vector<16xf32>
        %mul3A_372 = arith.constant 5.773500e-01 : f32
        %mul3A_373 = vector.broadcast %mul3A_372 : f32 to vector<16xf32>
        %mul3A_374 = arith.mulf %mul3A_373, %mul3A_350 : vector<16xf32>
        %add3A_375 = arith.addf %add3A_371, %mul3A_374 : vector<16xf32>
        %swap3A_376 = arith.constant 1 : i32
        %swap3A_377 = arith.constant 0 : i32
        %swap3A_378 = arith.constant 0 : i32
        %swap3A_379 = tpu.memref_slice %arg7[%scan3A_166, %swap3A_377, %swap3A_378] : memref<2x16x1792xf32, #tpu.memory_space<vmem>> -> memref<1x16x1792xf32, #tpu.memory_space<vmem>>
        %swap3A_380 = tpu.memref_squeeze %swap3A_379 : memref<1x16x1792xf32, #tpu.memory_space<vmem>> -> memref<16x1792xf32, #tpu.memory_space<vmem>>
        %swap3A_381 = arith.index_cast %swap3A_376 : i32 to index
        %swap3A_382 = arith.index_cast %mul3A_284 : i32 to index
        %swap3A_383 = tpu.vector_load %swap3A_380[%swap3A_381, %swap3A_382] {strides = array<i32>} : memref<16x1792xf32, #tpu.memory_space<vmem>>, vector<16xf32>,
        tpu.vector_store %swap3A_380[%swap3A_381, %swap3A_382], %add3A_375 {strides = array<i32>} : memref<16x1792xf32, #tpu.memory_space<vmem>>, vector<16xf32>,
        %mul3A_384 = arith.mulf %get3A_291, %get3A_331 : vector<16xf32>
        %swap3A_385 = arith.constant 2 : i32
        %swap3A_386 = arith.constant 0 : i32
        %swap3A_387 = arith.constant 0 : i32
        %swap3A_388 = tpu.memref_slice %arg7[%scan3A_166, %swap3A_386, %swap3A_387] : memref<2x16x1792xf32, #tpu.memory_space<vmem>> -> memref<1x16x1792xf32, #tpu.memory_space<vmem>>
        %swap3A_389 = tpu.memref_squeeze %swap3A_388 : memref<1x16x1792xf32, #tpu.memory_space<vmem>> -> memref<16x1792xf32, #tpu.memory_space<vmem>>
        %swap3A_390 = arith.index_cast %swap3A_385 : i32 to index
        %swap3A_391 = arith.index_cast %mul3A_284 : i32 to index
        %swap3A_392 = tpu.vector_load %swap3A_389[%swap3A_390, %swap3A_391] {strides = array<i32>} : memref<16x1792xf32, #tpu.memory_space<vmem>>, vector<16xf32>,
        tpu.vector_store %swap3A_389[%swap3A_390, %swap3A_391], %mul3A_384 {strides = array<i32>} : memref<16x1792xf32, #tpu.memory_space<vmem>>, vector<16xf32>,
        %mul3A_393 = arith.mulf %get3A_291, %get3A_339 : vector<16xf32>
        %swap3A_394 = arith.constant 3 : i32
        %swap3A_395 = arith.constant 0 : i32
        %swap3A_396 = arith.constant 0 : i32
        %swap3A_397 = tpu.memref_slice %arg7[%scan3A_166, %swap3A_395, %swap3A_396] : memref<2x16x1792xf32, #tpu.memory_space<vmem>> -> memref<1x16x1792xf32, #tpu.memory_space<vmem>>
        %swap3A_398 = tpu.memref_squeeze %swap3A_397 : memref<1x16x1792xf32, #tpu.memory_space<vmem>> -> memref<16x1792xf32, #tpu.memory_space<vmem>>
        %swap3A_399 = arith.index_cast %swap3A_394 : i32 to index
        %swap3A_400 = arith.index_cast %mul3A_284 : i32 to index
        %swap3A_401 = tpu.vector_load %swap3A_398[%swap3A_399, %swap3A_400] {strides = array<i32>} : memref<16x1792xf32, #tpu.memory_space<vmem>>, vector<16xf32>,
        tpu.vector_store %swap3A_398[%swap3A_399, %swap3A_400], %mul3A_393 {strides = array<i32>} : memref<16x1792xf32, #tpu.memory_space<vmem>>, vector<16xf32>,
        %mul3A_402 = arith.mulf %get3A_291, %get3A_347 : vector<16xf32>
        %swap3A_403 = arith.constant 4 : i32
        %swap3A_404 = arith.constant 0 : i32
        %swap3A_405 = arith.constant 0 : i32
        %swap3A_406 = tpu.memref_slice %arg7[%scan3A_166, %swap3A_404, %swap3A_405] : memref<2x16x1792xf32, #tpu.memory_space<vmem>> -> memref<1x16x1792xf32, #tpu.memory_space<vmem>>
        %swap3A_407 = tpu.memref_squeeze %swap3A_406 : memref<1x16x1792xf32, #tpu.memory_space<vmem>> -> memref<16x1792xf32, #tpu.memory_space<vmem>>
        %swap3A_408 = arith.index_cast %swap3A_403 : i32 to index
        %swap3A_409 = arith.index_cast %mul3A_284 : i32 to index
        %swap3A_410 = tpu.vector_load %swap3A_407[%swap3A_408, %swap3A_409] {strides = array<i32>} : memref<16x1792xf32, #tpu.memory_space<vmem>>, vector<16xf32>,
        tpu.vector_store %swap3A_407[%swap3A_408, %swap3A_409], %mul3A_402 {strides = array<i32>} : memref<16x1792xf32, #tpu.memory_space<vmem>>, vector<16xf32>,
        %mul3A_411 = arith.mulf %get3A_299, %get3A_323 : vector<16xf32>
        %swap3A_412 = arith.constant 5 : i32
        %swap3A_413 = arith.constant 0 : i32
        %swap3A_414 = arith.constant 0 : i32
        %swap3A_415 = tpu.memref_slice %arg7[%scan3A_166, %swap3A_413, %swap3A_414] : memref<2x16x1792xf32, #tpu.memory_space<vmem>> -> memref<1x16x1792xf32, #tpu.memory_space<vmem>>
        %swap3A_416 = tpu.memref_squeeze %swap3A_415 : memref<1x16x1792xf32, #tpu.memory_space<vmem>> -> memref<16x1792xf32, #tpu.memory_space<vmem>>
        %swap3A_417 = arith.index_cast %swap3A_412 : i32 to index
        %swap3A_418 = arith.index_cast %mul3A_284 : i32 to index
        %swap3A_419 = tpu.vector_load %swap3A_416[%swap3A_417, %swap3A_418] {strides = array<i32>} : memref<16x1792xf32, #tpu.memory_space<vmem>>, vector<16xf32>,
        tpu.vector_store %swap3A_416[%swap3A_417, %swap3A_418], %mul3A_411 {strides = array<i32>} : memref<16x1792xf32, #tpu.memory_space<vmem>>, vector<16xf32>,
        %mul3A_420 = arith.mulf %get3A_307, %get3A_323 : vector<16xf32>
        %swap3A_421 = arith.constant 6 : i32
        %swap3A_422 = arith.constant 0 : i32
        %swap3A_423 = arith.constant 0 : i32
        %swap3A_424 = tpu.memref_slice %arg7[%scan3A_166, %swap3A_422, %swap3A_423] : memref<2x16x1792xf32, #tpu.memory_space<vmem>> -> memref<1x16x1792xf32, #tpu.memory_space<vmem>>
        %swap3A_425 = tpu.memref_squeeze %swap3A_424 : memref<1x16x1792xf32, #tpu.memory_space<vmem>> -> memref<16x1792xf32, #tpu.memory_space<vmem>>
        %swap3A_426 = arith.index_cast %swap3A_421 : i32 to index
        %swap3A_427 = arith.index_cast %mul3A_284 : i32 to index
        %swap3A_428 = tpu.vector_load %swap3A_425[%swap3A_426, %swap3A_427] {strides = array<i32>} : memref<16x1792xf32, #tpu.memory_space<vmem>>, vector<16xf32>,
        tpu.vector_store %swap3A_425[%swap3A_426, %swap3A_427], %mul3A_420 {strides = array<i32>} : memref<16x1792xf32, #tpu.memory_space<vmem>>, vector<16xf32>,
        %mul3A_429 = arith.mulf %get3A_315, %get3A_323 : vector<16xf32>
        %swap3A_430 = arith.constant 7 : i32
        %swap3A_431 = arith.constant 0 : i32
        %swap3A_432 = arith.constant 0 : i32
        %swap3A_433 = tpu.memref_slice %arg7[%scan3A_166, %swap3A_431, %swap3A_432] : memref<2x16x1792xf32, #tpu.memory_space<vmem>> -> memref<1x16x1792xf32, #tpu.memory_space<vmem>>
        %swap3A_434 = tpu.memref_squeeze %swap3A_433 : memref<1x16x1792xf32, #tpu.memory_space<vmem>> -> memref<16x1792xf32, #tpu.memory_space<vmem>>
        %swap3A_435 = arith.index_cast %swap3A_430 : i32 to index
        %swap3A_436 = arith.index_cast %mul3A_284 : i32 to index
        %swap3A_437 = tpu.vector_load %swap3A_434[%swap3A_435, %swap3A_436] {strides = array<i32>} : memref<16x1792xf32, #tpu.memory_space<vmem>>, vector<16xf32>,
        tpu.vector_store %swap3A_434[%swap3A_435, %swap3A_436], %mul3A_429 {strides = array<i32>} : memref<16x1792xf32, #tpu.memory_space<vmem>>, vector<16xf32>,
        %mul3A_438 = arith.constant 0.707109987 : f32
        %mul3A_439 = vector.broadcast %mul3A_438 : f32 to vector<16xf32>
        %mul3A_440 = arith.mulf %mul3A_439, %mul3A_355 : vector<16xf32>
        %mul3A_441 = arith.constant 0.707109987 : f32
        %mul3A_442 = vector.broadcast %mul3A_441 : f32 to vector<16xf32>
        %mul3A_443 = arith.mulf %mul3A_442, %mul3A_356 : vector<16xf32>
        %sub3A = arith.subf %mul3A_440, %mul3A_443 : vector<16xf32>
        %swap3A_444 = arith.constant 8 : i32
        %swap3A_445 = arith.constant 0 : i32
        %swap3A_446 = arith.constant 0 : i32
        %swap3A_447 = tpu.memref_slice %arg7[%scan3A_166, %swap3A_445, %swap3A_446] : memref<2x16x1792xf32, #tpu.memory_space<vmem>> -> memref<1x16x1792xf32, #tpu.memory_space<vmem>>
        %swap3A_448 = tpu.memref_squeeze %swap3A_447 : memref<1x16x1792xf32, #tpu.memory_space<vmem>> -> memref<16x1792xf32, #tpu.memory_space<vmem>>
        %swap3A_449 = arith.index_cast %swap3A_444 : i32 to index
        %swap3A_450 = arith.index_cast %mul3A_284 : i32 to index
        %swap3A_451 = tpu.vector_load %swap3A_448[%swap3A_449, %swap3A_450] {strides = array<i32>} : memref<16x1792xf32, #tpu.memory_space<vmem>>, vector<16xf32>,
        tpu.vector_store %swap3A_448[%swap3A_449, %swap3A_450], %sub3A {strides = array<i32>} : memref<16x1792xf32, #tpu.memory_space<vmem>>, vector<16xf32>,
        %mul3A_452 = arith.constant 0.707109987 : f32
        %mul3A_453 = vector.broadcast %mul3A_452 : f32 to vector<16xf32>
        %mul3A_454 = arith.mulf %mul3A_453, %mul3A_354 : vector<16xf32>
        %mul3A_455 = arith.constant 0.707109987 : f32
        %mul3A_456 = vector.broadcast %mul3A_455 : f32 to vector<16xf32>
        %mul3A_457 = arith.mulf %mul3A_456, %mul3A_353 : vector<16xf32>
        %sub3A_458 = arith.subf %mul3A_454, %mul3A_457 : vector<16xf32>
        %swap3A_459 = arith.constant 9 : i32
        %swap3A_460 = arith.constant 0 : i32
        %swap3A_461 = arith.constant 0 : i32
        %swap3A_462 = tpu.memref_slice %arg7[%scan3A_166, %swap3A_460, %swap3A_461] : memref<2x16x1792xf32, #tpu.memory_space<vmem>> -> memref<1x16x1792xf32, #tpu.memory_space<vmem>>
        %swap3A_463 = tpu.memref_squeeze %swap3A_462 : memref<1x16x1792xf32, #tpu.memory_space<vmem>> -> memref<16x1792xf32, #tpu.memory_space<vmem>>
        %swap3A_464 = arith.index_cast %swap3A_459 : i32 to index
        %swap3A_465 = arith.index_cast %mul3A_284 : i32 to index
        %swap3A_466 = tpu.vector_load %swap3A_463[%swap3A_464, %swap3A_465] {strides = array<i32>} : memref<16x1792xf32, #tpu.memory_space<vmem>>, vector<16xf32>,
        tpu.vector_store %swap3A_463[%swap3A_464, %swap3A_465], %sub3A_458 {strides = array<i32>} : memref<16x1792xf32, #tpu.memory_space<vmem>>, vector<16xf32>,
        %mul3A_467 = arith.constant 0.707109987 : f32
        %mul3A_468 = vector.broadcast %mul3A_467 : f32 to vector<16xf32>
        %mul3A_469 = arith.mulf %mul3A_468, %mul3A_351 : vector<16xf32>
        %mul3A_470 = arith.constant 0.707109987 : f32
        %mul3A_471 = vector.broadcast %mul3A_470 : f32 to vector<16xf32>
        %mul3A_472 = arith.mulf %mul3A_471, %mul3A_352 : vector<16xf32>
        %sub3A_473 = arith.subf %mul3A_469, %mul3A_472 : vector<16xf32>
        %swap3A_474 = arith.constant 10 : i32
        %swap3A_475 = arith.constant 0 : i32
        %swap3A_476 = arith.constant 0 : i32
        %swap3A_477 = tpu.memref_slice %arg7[%scan3A_166, %swap3A_475, %swap3A_476] : memref<2x16x1792xf32, #tpu.memory_space<vmem>> -> memref<1x16x1792xf32, #tpu.memory_space<vmem>>
        %swap3A_478 = tpu.memref_squeeze %swap3A_477 : memref<1x16x1792xf32, #tpu.memory_space<vmem>> -> memref<16x1792xf32, #tpu.memory_space<vmem>>
        %swap3A_479 = arith.index_cast %swap3A_474 : i32 to index
        %swap3A_480 = arith.index_cast %mul3A_284 : i32 to index
        %swap3A_481 = tpu.vector_load %swap3A_478[%swap3A_479, %swap3A_480] {strides = array<i32>} : memref<16x1792xf32, #tpu.memory_space<vmem>>, vector<16xf32>,
        tpu.vector_store %swap3A_478[%swap3A_479, %swap3A_480], %sub3A_473 {strides = array<i32>} : memref<16x1792xf32, #tpu.memory_space<vmem>>, vector<16xf32>,
        %mul3A_482 = arith.constant 0.707109987 : f32
        %mul3A_483 = vector.broadcast %mul3A_482 : f32 to vector<16xf32>
        %mul3A_484 = arith.mulf %mul3A_483, %mul3A_354 : vector<16xf32>
        %mul3A_485 = arith.constant 0.707109987 : f32
        %mul3A_486 = vector.broadcast %mul3A_485 : f32 to vector<16xf32>
        %mul3A_487 = arith.mulf %mul3A_486, %mul3A_353 : vector<16xf32>
        %add3A_488 = arith.addf %mul3A_484, %mul3A_487 : vector<16xf32>
        %swap3A_489 = arith.constant 11 : i32
        %swap3A_490 = arith.constant 0 : i32
        %swap3A_491 = arith.constant 0 : i32
        %swap3A_492 = tpu.memref_slice %arg7[%scan3A_166, %swap3A_490, %swap3A_491] : memref<2x16x1792xf32, #tpu.memory_space<vmem>> -> memref<1x16x1792xf32, #tpu.memory_space<vmem>>
        %swap3A_493 = tpu.memref_squeeze %swap3A_492 : memref<1x16x1792xf32, #tpu.memory_space<vmem>> -> memref<16x1792xf32, #tpu.memory_space<vmem>>
        %swap3A_494 = arith.index_cast %swap3A_489 : i32 to index
        %swap3A_495 = arith.index_cast %mul3A_284 : i32 to index
        %swap3A_496 = tpu.vector_load %swap3A_493[%swap3A_494, %swap3A_495] {strides = array<i32>} : memref<16x1792xf32, #tpu.memory_space<vmem>>, vector<16xf32>,
        tpu.vector_store %swap3A_493[%swap3A_494, %swap3A_495], %add3A_488 {strides = array<i32>} : memref<16x1792xf32, #tpu.memory_space<vmem>>, vector<16xf32>,
        %mul3A_497 = arith.constant 0.707109987 : f32
        %mul3A_498 = vector.broadcast %mul3A_497 : f32 to vector<16xf32>
        %mul3A_499 = arith.mulf %mul3A_498, %mul3A_351 : vector<16xf32>
        %mul3A_500 = arith.constant 0.707109987 : f32
        %mul3A_501 = vector.broadcast %mul3A_500 : f32 to vector<16xf32>
        %mul3A_502 = arith.mulf %mul3A_501, %mul3A_352 : vector<16xf32>
        %add3A_503 = arith.addf %mul3A_499, %mul3A_502 : vector<16xf32>
        %swap3A_504 = arith.constant 12 : i32
        %swap3A_505 = arith.constant 0 : i32
        %swap3A_506 = arith.constant 0 : i32
        %swap3A_507 = tpu.memref_slice %arg7[%scan3A_166, %swap3A_505, %swap3A_506] : memref<2x16x1792xf32, #tpu.memory_space<vmem>> -> memref<1x16x1792xf32, #tpu.memory_space<vmem>>
        %swap3A_508 = tpu.memref_squeeze %swap3A_507 : memref<1x16x1792xf32, #tpu.memory_space<vmem>> -> memref<16x1792xf32, #tpu.memory_space<vmem>>
        %swap3A_509 = arith.index_cast %swap3A_504 : i32 to index
        %swap3A_510 = arith.index_cast %mul3A_284 : i32 to index
        %swap3A_511 = tpu.vector_load %swap3A_508[%swap3A_509, %swap3A_510] {strides = array<i32>} : memref<16x1792xf32, #tpu.memory_space<vmem>>, vector<16xf32>,
        tpu.vector_store %swap3A_508[%swap3A_509, %swap3A_510], %add3A_503 {strides = array<i32>} : memref<16x1792xf32, #tpu.memory_space<vmem>>, vector<16xf32>,
        %mul3A_512 = arith.constant 8.165000e-01 : f32
        %mul3A_513 = vector.broadcast %mul3A_512 : f32 to vector<16xf32>
        %mul3A_514 = arith.mulf %mul3A_513, %mul3A_349 : vector<16xf32>
        %mul3A_515 = arith.constant 4.082500e-01 : f32
        %mul3A_516 = vector.broadcast %mul3A_515 : f32 to vector<16xf32>
        %mul3A_517 = arith.mulf %mul3A_516, %mul3A_348 : vector<16xf32>
        %sub3A_518 = arith.subf %mul3A_514, %mul3A_517 : vector<16xf32>
        %mul3A_519 = arith.constant 4.082500e-01 : f32
        %mul3A_520 = vector.broadcast %mul3A_519 : f32 to vector<16xf32>
        %mul3A_521 = arith.mulf %mul3A_520, %mul3A_350 : vector<16xf32>
        %sub3A_522 = arith.subf %sub3A_518, %mul3A_521 : vector<16xf32>
        %swap3A_523 = arith.constant 13 : i32
        %swap3A_524 = arith.constant 0 : i32
        %swap3A_525 = arith.constant 0 : i32
        %swap3A_526 = tpu.memref_slice %arg7[%scan3A_166, %swap3A_524, %swap3A_525] : memref<2x16x1792xf32, #tpu.memory_space<vmem>> -> memref<1x16x1792xf32, #tpu.memory_space<vmem>>
        %swap3A_527 = tpu.memref_squeeze %swap3A_526 : memref<1x16x1792xf32, #tpu.memory_space<vmem>> -> memref<16x1792xf32, #tpu.memory_space<vmem>>
        %swap3A_528 = arith.index_cast %swap3A_523 : i32 to index
        %swap3A_529 = arith.index_cast %mul3A_284 : i32 to index
        %swap3A_530 = tpu.vector_load %swap3A_527[%swap3A_528, %swap3A_529] {strides = array<i32>} : memref<16x1792xf32, #tpu.memory_space<vmem>>, vector<16xf32>,
        tpu.vector_store %swap3A_527[%swap3A_528, %swap3A_529], %sub3A_522 {strides = array<i32>} : memref<16x1792xf32, #tpu.memory_space<vmem>>, vector<16xf32>,
        %mul3A_531 = arith.constant 0.707109987 : f32
        %mul3A_532 = vector.broadcast %mul3A_531 : f32 to vector<16xf32>
        %mul3A_533 = arith.mulf %mul3A_532, %mul3A_356 : vector<16xf32>
        %mul3A_534 = arith.constant 0.707109987 : f32
        %mul3A_535 = vector.broadcast %mul3A_534 : f32 to vector<16xf32>
        %mul3A_536 = arith.mulf %mul3A_535, %mul3A_355 : vector<16xf32>
        %add3A_537 = arith.addf %mul3A_533, %mul3A_536 : vector<16xf32>
        %swap3A_538 = arith.constant 14 : i32
        %swap3A_539 = arith.constant 0 : i32
        %swap3A_540 = arith.constant 0 : i32
        %swap3A_541 = tpu.memref_slice %arg7[%scan3A_166, %swap3A_539, %swap3A_540] : memref<2x16x1792xf32, #tpu.memory_space<vmem>> -> memref<1x16x1792xf32, #tpu.memory_space<vmem>>
        %swap3A_542 = tpu.memref_squeeze %swap3A_541 : memref<1x16x1792xf32, #tpu.memory_space<vmem>> -> memref<16x1792xf32, #tpu.memory_space<vmem>>
        %swap3A_543 = arith.index_cast %swap3A_538 : i32 to index
        %swap3A_544 = arith.index_cast %mul3A_284 : i32 to index
        %swap3A_545 = tpu.vector_load %swap3A_542[%swap3A_543, %swap3A_544] {strides = array<i32>} : memref<16x1792xf32, #tpu.memory_space<vmem>>, vector<16xf32>,
        tpu.vector_store %swap3A_542[%swap3A_543, %swap3A_544], %add3A_537 {strides = array<i32>} : memref<16x1792xf32, #tpu.memory_space<vmem>>, vector<16xf32>,
        %mul3A_546 = arith.constant 0.707109987 : f32
        %mul3A_547 = vector.broadcast %mul3A_546 : f32 to vector<16xf32>
        %mul3A_548 = arith.mulf %mul3A_547, %mul3A_350 : vector<16xf32>
        %mul3A_549 = arith.constant 0.707109987 : f32
        %mul3A_550 = vector.broadcast %mul3A_549 : f32 to vector<16xf32>
        %mul3A_551 = arith.mulf %mul3A_550, %mul3A_348 : vector<16xf32>
        %sub3A_552 = arith.subf %mul3A_548, %mul3A_551 : vector<16xf32>
        %swap3A_553 = arith.constant 15 : i32
        %swap3A_554 = arith.constant 0 : i32
        %swap3A_555 = arith.constant 0 : i32
        %swap3A_556 = tpu.memref_slice %arg7[%scan3A_166, %swap3A_554, %swap3A_555] : memref<2x16x1792xf32, #tpu.memory_space<vmem>> -> memref<1x16x1792xf32, #tpu.memory_space<vmem>>
        %swap3A_557 = tpu.memref_squeeze %swap3A_556 : memref<1x16x1792xf32, #tpu.memory_space<vmem>> -> memref<16x1792xf32, #tpu.memory_space<vmem>>
        %swap3A_558 = arith.index_cast %swap3A_553 : i32 to index
        %swap3A_559 = arith.index_cast %mul3A_284 : i32 to index
        %swap3A_560 = tpu.vector_load %swap3A_557[%swap3A_558, %swap3A_559] {strides = array<i32>} : memref<16x1792xf32, #tpu.memory_space<vmem>>, vector<16xf32>,
        tpu.vector_store %swap3A_557[%swap3A_558, %swap3A_559], %sub3A_552 {strides = array<i32>} : memref<16x1792xf32, #tpu.memory_space<vmem>>, vector<16xf32>,
      }
      %scan3A_171 = arith.constant 112 : i32
      %mul3A_172 = arith.constant 2 : i32
      %mul3A_173 = arith.muli %mul3A_172, %scan3A_79 : i32
      %mul3A_174 = arith.constant 32 : i32
      %mul3A_175 = arith.muli %mul3A_173, %mul3A_174 : i32
      %add3A_176 = arith.addi %mul3A_175, %add3A : i32
      %mul3A_177 = arith.constant 14 : i32
      %mul3A_178 = arith.muli %add3A_176, %mul3A_177 : i32
      %min3A_179 = arith.constant 12486 : i32
      %min3A_180 = arith.minsi %mul3A_178, %min3A_179 : i32
      %mul3A_181 = arith.constant 128 : i32
      %mul3A_182 = arith.muli %min3A_180, %mul3A_181 : i32
      %dma_start3A_183 = arith.constant 0 : i32
      %dma_start3A_184 = arith.constant 0 : i32
      %dma_start3A_185 = arith.constant 0 : i32
      %dma_start3A_186 = arith.constant 0 : i32
      %dma_start3A_187 = tpu.memref_slice %arg7[%dma_start3A_183, %dma_start3A_185, %dma_start3A_186] : memref<2x16x1792xf32, #tpu.memory_space<vmem>> -> memref<1x16x1792xf32, #tpu.memory_space<vmem>>
      %dma_start3A_188 = tpu.memref_squeeze %dma_start3A_187 : memref<1x16x1792xf32, #tpu.memory_space<vmem>> -> memref<16x1792xf32, #tpu.memory_space<vmem>>
      %dma_start3A_189 = arith.constant 0 : i32
      %dma_start3A_190 = tpu.memref_slice %arg4[%dma_start3A_189, %mul3A_182] : memref<16x1600000xf32, #tpu.memory_space<hbm>> -> memref<16x1792xf32, #tpu.memory_space<hbm>>
      %dma_start3A_191 = tpu.memref_slice %arg10[%dma_start3A_184] : memref<2x!tpu.dma_semaphore, #tpu.memory_space<semaphore_mem>> -> memref<1x!tpu.dma_semaphore, #tpu.memory_space<semaphore_mem>>
      %dma_start3A_192 = tpu.memref_squeeze %dma_start3A_191 : memref<1x!tpu.dma_semaphore, #tpu.memory_space<semaphore_mem>> -> memref<!tpu.dma_semaphore, #tpu.memory_space<semaphore_mem>>
      %dma_start3A_193 = arith.constant 0 : i32
      %dma_start3A_194 = tpu.memref_slice %arg4[%dma_start3A_193, %mul3A_182] : memref<16x1600000xf32, #tpu.memory_space<hbm>> -> memref<16x1792xf32, #tpu.memory_space<hbm>>
      %dma_start3A_195 = arith.constant 0 : i32
      %dma_start3A_196 = arith.constant 0 : i32
      %dma_start3A_197 = tpu.memref_slice %arg7[%dma_start3A_183, %dma_start3A_195, %dma_start3A_196] : memref<2x16x1792xf32, #tpu.memory_space<vmem>> -> memref<1x16x1792xf32, #tpu.memory_space<vmem>>
      %dma_start3A_198 = tpu.memref_squeeze %dma_start3A_197 : memref<1x16x1792xf32, #tpu.memory_space<vmem>> -> memref<16x1792xf32, #tpu.memory_space<vmem>>
      tpu.enqueue_dma source(%dma_start3A_198 : memref<16x1792xf32, #tpu.memory_space<vmem>>) target(%dma_start3A_194 : memref<16x1792xf32, #tpu.memory_space<hbm>>) target_semaphore(%dma_start3A_192 : memref<!tpu.dma_semaphore, #tpu.memory_space<semaphore_mem>>)
      %lt3A = arith.constant 13 : i32
      %lt3A_199 = arith.cmpi slt, %scan3A_79, %lt3A : i32
      %convert_element_type3A_200 = arith.extui %lt3A_199 : i1 to i32
      %cond3A_201 = arith.constant 0 : i32
      %cond3A_202 = arith.cmpi ne, %convert_element_type3A_200, %cond3A_201 : i32
      scf.if %cond3A_202 {
        %mul3A_282 = arith.constant 2 : i32
        %mul3A_283 = arith.muli %mul3A_282, %scan3A_79 : i32
        %add3A_284 = arith.constant 2 : i32
        %add3A_285 = arith.addi %mul3A_283, %add3A_284 : i32
        %mul3A_286 = arith.constant 32 : i32
        %mul3A_287 = arith.muli %add3A_285, %mul3A_286 : i32
        %add3A_288 = arith.addi %mul3A_287, %add3A : i32
        %mul3A_289 = arith.constant 14 : i32
        %mul3A_290 = arith.muli %add3A_288, %mul3A_289 : i32
        %min3A_291 = arith.constant 12486 : i32
        %min3A_292 = arith.minsi %mul3A_290, %min3A_291 : i32
        %mul3A_293 = arith.constant 128 : i32
        %mul3A_294 = arith.muli %min3A_292, %mul3A_293 : i32
        %dma_start3A_295 = arith.constant 0 : i32
        %dma_start3A_296 = arith.constant 0 : i32
        %dma_start3A_297 = arith.constant 0 : i32
        %dma_start3A_298 = arith.constant 0 : i32
        %dma_start3A_299 = tpu.memref_slice %arg5[%dma_start3A_295, %dma_start3A_297, %dma_start3A_298] : memref<2x4x1792xf32, #tpu.memory_space<vmem>> -> memref<1x4x1792xf32, #tpu.memory_space<vmem>>
        %dma_start3A_300 = tpu.memref_squeeze %dma_start3A_299 : memref<1x4x1792xf32, #tpu.memory_space<vmem>> -> memref<4x1792xf32, #tpu.memory_space<vmem>>
        %dma_start3A_301 = arith.constant 0 : i32
        %dma_start3A_302 = tpu.memref_slice %arg2[%dma_start3A_301, %mul3A_294] : memref<4x1600000xf32, #tpu.memory_space<hbm>> -> memref<4x1792xf32, #tpu.memory_space<hbm>>
        %dma_start3A_303 = tpu.memref_slice %arg8[%dma_start3A_296] : memref<2x!tpu.dma_semaphore, #tpu.memory_space<semaphore_mem>> -> memref<1x!tpu.dma_semaphore, #tpu.memory_space<semaphore_mem>>
        %dma_start3A_304 = tpu.memref_squeeze %dma_start3A_303 : memref<1x!tpu.dma_semaphore, #tpu.memory_space<semaphore_mem>> -> memref<!tpu.dma_semaphore, #tpu.memory_space<semaphore_mem>>
        %dma_start3A_305 = arith.constant 0 : i32
        %dma_start3A_306 = arith.constant 0 : i32
        %dma_start3A_307 = tpu.memref_slice %arg5[%dma_start3A_295, %dma_start3A_305, %dma_start3A_306] : memref<2x4x1792xf32, #tpu.memory_space<vmem>> -> memref<1x4x1792xf32, #tpu.memory_space<vmem>>
        %dma_start3A_308 = tpu.memref_squeeze %dma_start3A_307 : memref<1x4x1792xf32, #tpu.memory_space<vmem>> -> memref<4x1792xf32, #tpu.memory_space<vmem>>
        %dma_start3A_309 = arith.constant 0 : i32
        %dma_start3A_310 = tpu.memref_slice %arg2[%dma_start3A_309, %mul3A_294] : memref<4x1600000xf32, #tpu.memory_space<hbm>> -> memref<4x1792xf32, #tpu.memory_space<hbm>>
        tpu.enqueue_dma source(%dma_start3A_310 : memref<4x1792xf32, #tpu.memory_space<hbm>>) target(%dma_start3A_308 : memref<4x1792xf32, #tpu.memory_space<vmem>>) target_semaphore(%dma_start3A_304 : memref<!tpu.dma_semaphore, #tpu.memory_space<semaphore_mem>>)
        %dma_start3A_311 = arith.constant 0 : i32
        %dma_start3A_312 = arith.constant 0 : i32
        %dma_start3A_313 = arith.constant 0 : i32
        %dma_start3A_314 = arith.constant 0 : i32
        %dma_start3A_315 = tpu.memref_slice %arg6[%dma_start3A_311, %dma_start3A_313, %dma_start3A_314] : memref<2x4x1792xf32, #tpu.memory_space<vmem>> -> memref<1x4x1792xf32, #tpu.memory_space<vmem>>
        %dma_start3A_316 = tpu.memref_squeeze %dma_start3A_315 : memref<1x4x1792xf32, #tpu.memory_space<vmem>> -> memref<4x1792xf32, #tpu.memory_space<vmem>>
        %dma_start3A_317 = arith.constant 0 : i32
        %dma_start3A_318 = tpu.memref_slice %arg3[%dma_start3A_317, %mul3A_294] : memref<4x1600000xf32, #tpu.memory_space<hbm>> -> memref<4x1792xf32, #tpu.memory_space<hbm>>
        %dma_start3A_319 = tpu.memref_slice %arg9[%dma_start3A_312] : memref<2x!tpu.dma_semaphore, #tpu.memory_space<semaphore_mem>> -> memref<1x!tpu.dma_semaphore, #tpu.memory_space<semaphore_mem>>
        %dma_start3A_320 = tpu.memref_squeeze %dma_start3A_319 : memref<1x!tpu.dma_semaphore, #tpu.memory_space<semaphore_mem>> -> memref<!tpu.dma_semaphore, #tpu.memory_space<semaphore_mem>>
        %dma_start3A_321 = arith.constant 0 : i32
        %dma_start3A_322 = arith.constant 0 : i32
        %dma_start3A_323 = tpu.memref_slice %arg6[%dma_start3A_311, %dma_start3A_321, %dma_start3A_322] : memref<2x4x1792xf32, #tpu.memory_space<vmem>> -> memref<1x4x1792xf32, #tpu.memory_space<vmem>>
        %dma_start3A_324 = tpu.memref_squeeze %dma_start3A_323 : memref<1x4x1792xf32, #tpu.memory_space<vmem>> -> memref<4x1792xf32, #tpu.memory_space<vmem>>
        %dma_start3A_325 = arith.constant 0 : i32
        %dma_start3A_326 = tpu.memref_slice %arg3[%dma_start3A_325, %mul3A_294] : memref<4x1600000xf32, #tpu.memory_space<hbm>> -> memref<4x1792xf32, #tpu.memory_space<hbm>>
        tpu.enqueue_dma source(%dma_start3A_326 : memref<4x1792xf32, #tpu.memory_space<hbm>>) target(%dma_start3A_324 : memref<4x1792xf32, #tpu.memory_space<vmem>>) target_semaphore(%dma_start3A_320 : memref<!tpu.dma_semaphore, #tpu.memory_space<semaphore_mem>>)
      } else {
      }
      %dma_wait3A_203 = arith.constant 1 : i32
      %dma_wait3A_204 = arith.constant 1 : i32
      %dma_wait3A_205 = arith.constant 0 : i32
      %dma_wait3A_206 = arith.constant 0 : i32
      %dma_wait3A_207 = tpu.memref_slice %arg5[%dma_wait3A_203, %dma_wait3A_205, %dma_wait3A_206] : memref<2x4x1792xf32, #tpu.memory_space<vmem>> -> memref<1x4x1792xf32, #tpu.memory_space<vmem>>
      %dma_wait3A_208 = tpu.memref_squeeze %dma_wait3A_207 : memref<1x4x1792xf32, #tpu.memory_space<vmem>> -> memref<4x1792xf32, #tpu.memory_space<vmem>>
      %dma_wait3A_209 = arith.constant 0 : i32
      %dma_wait3A_210 = arith.constant 0 : i32
      %dma_wait3A_211 = tpu.memref_slice %arg2[%dma_wait3A_209, %dma_wait3A_210] : memref<4x1600000xf32, #tpu.memory_space<hbm>> -> memref<4x1792xf32, #tpu.memory_space<hbm>>
      %dma_wait3A_212 = tpu.memref_slice %arg8[%dma_wait3A_204] : memref<2x!tpu.dma_semaphore, #tpu.memory_space<semaphore_mem>> -> memref<1x!tpu.dma_semaphore, #tpu.memory_space<semaphore_mem>>
      %dma_wait3A_213 = tpu.memref_squeeze %dma_wait3A_212 : memref<1x!tpu.dma_semaphore, #tpu.memory_space<semaphore_mem>> -> memref<!tpu.dma_semaphore, #tpu.memory_space<semaphore_mem>>
      %dma_wait3A_214 = arith.constant 0 : i32
      %dma_wait3A_215 = arith.constant 0 : i32
      %dma_wait3A_216 = tpu.memref_slice %arg5[%dma_wait3A_203, %dma_wait3A_214, %dma_wait3A_215] : memref<2x4x1792xf32, #tpu.memory_space<vmem>> -> memref<1x4x1792xf32, #tpu.memory_space<vmem>>
      %dma_wait3A_217 = tpu.memref_squeeze %dma_wait3A_216 : memref<1x4x1792xf32, #tpu.memory_space<vmem>> -> memref<4x1792xf32, #tpu.memory_space<vmem>>
      %dma_wait3A_218 = arith.constant 0 : i32
      %dma_wait3A_219 = arith.constant 0 : i32
      %dma_wait3A_220 = tpu.memref_slice %arg2[%dma_wait3A_218, %dma_wait3A_219] : memref<4x1600000xf32, #tpu.memory_space<hbm>> -> memref<4x1792xf32, #tpu.memory_space<hbm>>
      tpu.wait_dma2 semaphore(%dma_wait3A_213 : memref<!tpu.dma_semaphore, #tpu.memory_space<semaphore_mem>>) src(%dma_wait3A_220 : memref<4x1792xf32, #tpu.memory_space<hbm>>) dst(%dma_wait3A_217 : memref<4x1792xf32, #tpu.memory_space<vmem>>)
      %dma_wait3A_221 = arith.constant 1 : i32
      %dma_wait3A_222 = arith.constant 1 : i32
      %dma_wait3A_223 = arith.constant 0 : i32
      %dma_wait3A_224 = arith.constant 0 : i32
      %dma_wait3A_225 = tpu.memref_slice %arg6[%dma_wait3A_221, %dma_wait3A_223, %dma_wait3A_224] : memref<2x4x1792xf32, #tpu.memory_space<vmem>> -> memref<1x4x1792xf32, #tpu.memory_space<vmem>>
      %dma_wait3A_226 = tpu.memref_squeeze %dma_wait3A_225 : memref<1x4x1792xf32, #tpu.memory_space<vmem>> -> memref<4x1792xf32, #tpu.memory_space<vmem>>
      %dma_wait3A_227 = arith.constant 0 : i32
      %dma_wait3A_228 = arith.constant 0 : i32
      %dma_wait3A_229 = tpu.memref_slice %arg3[%dma_wait3A_227, %dma_wait3A_228] : memref<4x1600000xf32, #tpu.memory_space<hbm>> -> memref<4x1792xf32, #tpu.memory_space<hbm>>
      %dma_wait3A_230 = tpu.memref_slice %arg9[%dma_wait3A_222] : memref<2x!tpu.dma_semaphore, #tpu.memory_space<semaphore_mem>> -> memref<1x!tpu.dma_semaphore, #tpu.memory_space<semaphore_mem>>
      %dma_wait3A_231 = tpu.memref_squeeze %dma_wait3A_230 : memref<1x!tpu.dma_semaphore, #tpu.memory_space<semaphore_mem>> -> memref<!tpu.dma_semaphore, #tpu.memory_space<semaphore_mem>>
      %dma_wait3A_232 = arith.constant 0 : i32
      %dma_wait3A_233 = arith.constant 0 : i32
      %dma_wait3A_234 = tpu.memref_slice %arg6[%dma_wait3A_221, %dma_wait3A_232, %dma_wait3A_233] : memref<2x4x1792xf32, #tpu.memory_space<vmem>> -> memref<1x4x1792xf32, #tpu.memory_space<vmem>>
      %dma_wait3A_235 = tpu.memref_squeeze %dma_wait3A_234 : memref<1x4x1792xf32, #tpu.memory_space<vmem>> -> memref<4x1792xf32, #tpu.memory_space<vmem>>
      %dma_wait3A_236 = arith.constant 0 : i32
      %dma_wait3A_237 = arith.constant 0 : i32
      %dma_wait3A_238 = tpu.memref_slice %arg3[%dma_wait3A_236, %dma_wait3A_237] : memref<4x1600000xf32, #tpu.memory_space<hbm>> -> memref<4x1792xf32, #tpu.memory_space<hbm>>
      tpu.wait_dma2 semaphore(%dma_wait3A_231 : memref<!tpu.dma_semaphore, #tpu.memory_space<semaphore_mem>>) src(%dma_wait3A_238 : memref<4x1792xf32, #tpu.memory_space<hbm>>) dst(%dma_wait3A_235 : memref<4x1792xf32, #tpu.memory_space<vmem>>)
      %gt3A_239 = arith.constant 0 : i32
      %gt3A_240 = arith.cmpi sgt, %scan3A_79, %gt3A_239 : i32
      %convert_element_type3A_241 = arith.extui %gt3A_240 : i1 to i32
      %cond3A_242 = arith.constant 0 : i32
      %cond3A_243 = arith.cmpi ne, %convert_element_type3A_241, %cond3A_242 : i32
      scf.if %cond3A_243 {
        %dma_wait3A_282 = arith.constant 1 : i32
        %dma_wait3A_283 = arith.constant 1 : i32
        %dma_wait3A_284 = arith.constant 0 : i32
        %dma_wait3A_285 = arith.constant 0 : i32
        %dma_wait3A_286 = tpu.memref_slice %arg7[%dma_wait3A_282, %dma_wait3A_284, %dma_wait3A_285] : memref<2x16x1792xf32, #tpu.memory_space<vmem>> -> memref<1x16x1792xf32, #tpu.memory_space<vmem>>
        %dma_wait3A_287 = tpu.memref_squeeze %dma_wait3A_286 : memref<1x16x1792xf32, #tpu.memory_space<vmem>> -> memref<16x1792xf32, #tpu.memory_space<vmem>>
        %dma_wait3A_288 = arith.constant 0 : i32
        %dma_wait3A_289 = arith.constant 0 : i32
        %dma_wait3A_290 = tpu.memref_slice %arg4[%dma_wait3A_288, %dma_wait3A_289] : memref<16x1600000xf32, #tpu.memory_space<hbm>> -> memref<16x1792xf32, #tpu.memory_space<hbm>>
        %dma_wait3A_291 = tpu.memref_slice %arg10[%dma_wait3A_283] : memref<2x!tpu.dma_semaphore, #tpu.memory_space<semaphore_mem>> -> memref<1x!tpu.dma_semaphore, #tpu.memory_space<semaphore_mem>>
        %dma_wait3A_292 = tpu.memref_squeeze %dma_wait3A_291 : memref<1x!tpu.dma_semaphore, #tpu.memory_space<semaphore_mem>> -> memref<!tpu.dma_semaphore, #tpu.memory_space<semaphore_mem>>
        %dma_wait3A_293 = arith.constant 0 : i32
        %dma_wait3A_294 = arith.constant 0 : i32
        %dma_wait3A_295 = tpu.memref_slice %arg4[%dma_wait3A_293, %dma_wait3A_294] : memref<16x1600000xf32, #tpu.memory_space<hbm>> -> memref<16x1792xf32, #tpu.memory_space<hbm>>
        %dma_wait3A_296 = arith.constant 0 : i32
        %dma_wait3A_297 = arith.constant 0 : i32
        %dma_wait3A_298 = tpu.memref_slice %arg7[%dma_wait3A_282, %dma_wait3A_296, %dma_wait3A_297] : memref<2x16x1792xf32, #tpu.memory_space<vmem>> -> memref<1x16x1792xf32, #tpu.memory_space<vmem>>
        %dma_wait3A_299 = tpu.memref_squeeze %dma_wait3A_298 : memref<1x16x1792xf32, #tpu.memory_space<vmem>> -> memref<16x1792xf32, #tpu.memory_space<vmem>>
        tpu.wait_dma2 semaphore(%dma_wait3A_292 : memref<!tpu.dma_semaphore, #tpu.memory_space<semaphore_mem>>) src(%dma_wait3A_299 : memref<16x1792xf32, #tpu.memory_space<vmem>>) dst(%dma_wait3A_295 : memref<16x1792xf32, #tpu.memory_space<hbm>>)
      } else {
      }
      %scan3A_244 = arith.constant 0 : i32
      %scan3A_245 = arith.constant 1 : i32
      %scan3A_246 = arith.constant 1 : i32
      %scan3A_247 = arith.constant 1 : i32
      %scan3A_248 = arith.constant 0 : i32
      %scan3A_249 = arith.constant 112 : i32
      %scan3A_250 = arith.addi %scan3A_248, %scan3A_249 : i32
      %scan3A_251 = arith.constant 1 : i32
      scf.for %scan3A_282 = %scan3A_248 to %scan3A_250 step %scan3A_251  : i32 {
        %mul3A_283 = arith.constant 16 : i32
        %mul3A_284 = arith.muli %scan3A_282, %mul3A_283 : i32
        %get3A = arith.constant 0 : i32
        %get3A_285 = arith.constant 0 : i32
        %get3A_286 = arith.constant 0 : i32
        %get3A_287 = tpu.memref_slice %arg5[%scan3A_245, %get3A_285, %get3A_286] : memref<2x4x1792xf32, #tpu.memory_space<vmem>> -> memref<1x4x1792xf32, #tpu.memory_space<vmem>>
        %get3A_288 = tpu.memref_squeeze %get3A_287 : memref<1x4x1792xf32, #tpu.memory_space<vmem>> -> memref<4x1792xf32, #tpu.memory_space<vmem>>
        %get3A_289 = arith.index_cast %get3A : i32 to index
        %get3A_290 = arith.index_cast %mul3A_284 : i32 to index
        %get3A_291 = tpu.vector_load %get3A_288[%get3A_289, %get3A_290] {strides = array<i32>} : memref<4x1792xf32, #tpu.memory_space<vmem>>, vector<16xf32>,
        %get3A_292 = arith.constant 1 : i32
        %get3A_293 = arith.constant 0 : i32
        %get3A_294 = arith.constant 0 : i32
        %get3A_295 = tpu.memref_slice %arg5[%scan3A_245, %get3A_293, %get3A_294] : memref<2x4x1792xf32, #tpu.memory_space<vmem>> -> memref<1x4x1792xf32, #tpu.memory_space<vmem>>
        %get3A_296 = tpu.memref_squeeze %get3A_295 : memref<1x4x1792xf32, #tpu.memory_space<vmem>> -> memref<4x1792xf32, #tpu.memory_space<vmem>>
        %get3A_297 = arith.index_cast %get3A_292 : i32 to index
        %get3A_298 = arith.index_cast %mul3A_284 : i32 to index
        %get3A_299 = tpu.vector_load %get3A_296[%get3A_297, %get3A_298] {strides = array<i32>} : memref<4x1792xf32, #tpu.memory_space<vmem>>, vector<16xf32>,
        %get3A_300 = arith.constant 2 : i32
        %get3A_301 = arith.constant 0 : i32
        %get3A_302 = arith.constant 0 : i32
        %get3A_303 = tpu.memref_slice %arg5[%scan3A_245, %get3A_301, %get3A_302] : memref<2x4x1792xf32, #tpu.memory_space<vmem>> -> memref<1x4x1792xf32, #tpu.memory_space<vmem>>
        %get3A_304 = tpu.memref_squeeze %get3A_303 : memref<1x4x1792xf32, #tpu.memory_space<vmem>> -> memref<4x1792xf32, #tpu.memory_space<vmem>>
        %get3A_305 = arith.index_cast %get3A_300 : i32 to index
        %get3A_306 = arith.index_cast %mul3A_284 : i32 to index
        %get3A_307 = tpu.vector_load %get3A_304[%get3A_305, %get3A_306] {strides = array<i32>} : memref<4x1792xf32, #tpu.memory_space<vmem>>, vector<16xf32>,
        %get3A_308 = arith.constant 3 : i32
        %get3A_309 = arith.constant 0 : i32
        %get3A_310 = arith.constant 0 : i32
        %get3A_311 = tpu.memref_slice %arg5[%scan3A_245, %get3A_309, %get3A_310] : memref<2x4x1792xf32, #tpu.memory_space<vmem>> -> memref<1x4x1792xf32, #tpu.memory_space<vmem>>
        %get3A_312 = tpu.memref_squeeze %get3A_311 : memref<1x4x1792xf32, #tpu.memory_space<vmem>> -> memref<4x1792xf32, #tpu.memory_space<vmem>>
        %get3A_313 = arith.index_cast %get3A_308 : i32 to index
        %get3A_314 = arith.index_cast %mul3A_284 : i32 to index
        %get3A_315 = tpu.vector_load %get3A_312[%get3A_313, %get3A_314] {strides = array<i32>} : memref<4x1792xf32, #tpu.memory_space<vmem>>, vector<16xf32>,
        %get3A_316 = arith.constant 0 : i32
        %get3A_317 = arith.constant 0 : i32
        %get3A_318 = arith.constant 0 : i32
        %get3A_319 = tpu.memref_slice %arg6[%scan3A_246, %get3A_317, %get3A_318] : memref<2x4x1792xf32, #tpu.memory_space<vmem>> -> memref<1x4x1792xf32, #tpu.memory_space<vmem>>
        %get3A_320 = tpu.memref_squeeze %get3A_319 : memref<1x4x1792xf32, #tpu.memory_space<vmem>> -> memref<4x1792xf32, #tpu.memory_space<vmem>>
        %get3A_321 = arith.index_cast %get3A_316 : i32 to index
        %get3A_322 = arith.index_cast %mul3A_284 : i32 to index
        %get3A_323 = tpu.vector_load %get3A_320[%get3A_321, %get3A_322] {strides = array<i32>} : memref<4x1792xf32, #tpu.memory_space<vmem>>, vector<16xf32>,
        %get3A_324 = arith.constant 1 : i32
        %get3A_325 = arith.constant 0 : i32
        %get3A_326 = arith.constant 0 : i32
        %get3A_327 = tpu.memref_slice %arg6[%scan3A_246, %get3A_325, %get3A_326] : memref<2x4x1792xf32, #tpu.memory_space<vmem>> -> memref<1x4x1792xf32, #tpu.memory_space<vmem>>
        %get3A_328 = tpu.memref_squeeze %get3A_327 : memref<1x4x1792xf32, #tpu.memory_space<vmem>> -> memref<4x1792xf32, #tpu.memory_space<vmem>>
        %get3A_329 = arith.index_cast %get3A_324 : i32 to index
        %get3A_330 = arith.index_cast %mul3A_284 : i32 to index
        %get3A_331 = tpu.vector_load %get3A_328[%get3A_329, %get3A_330] {strides = array<i32>} : memref<4x1792xf32, #tpu.memory_space<vmem>>, vector<16xf32>,
        %get3A_332 = arith.constant 2 : i32
        %get3A_333 = arith.constant 0 : i32
        %get3A_334 = arith.constant 0 : i32
        %get3A_335 = tpu.memref_slice %arg6[%scan3A_246, %get3A_333, %get3A_334] : memref<2x4x1792xf32, #tpu.memory_space<vmem>> -> memref<1x4x1792xf32, #tpu.memory_space<vmem>>
        %get3A_336 = tpu.memref_squeeze %get3A_335 : memref<1x4x1792xf32, #tpu.memory_space<vmem>> -> memref<4x1792xf32, #tpu.memory_space<vmem>>
        %get3A_337 = arith.index_cast %get3A_332 : i32 to index
        %get3A_338 = arith.index_cast %mul3A_284 : i32 to index
        %get3A_339 = tpu.vector_load %get3A_336[%get3A_337, %get3A_338] {strides = array<i32>} : memref<4x1792xf32, #tpu.memory_space<vmem>>, vector<16xf32>,
        %get3A_340 = arith.constant 3 : i32
        %get3A_341 = arith.constant 0 : i32
        %get3A_342 = arith.constant 0 : i32
        %get3A_343 = tpu.memref_slice %arg6[%scan3A_246, %get3A_341, %get3A_342] : memref<2x4x1792xf32, #tpu.memory_space<vmem>> -> memref<1x4x1792xf32, #tpu.memory_space<vmem>>
        %get3A_344 = tpu.memref_squeeze %get3A_343 : memref<1x4x1792xf32, #tpu.memory_space<vmem>> -> memref<4x1792xf32, #tpu.memory_space<vmem>>
        %get3A_345 = arith.index_cast %get3A_340 : i32 to index
        %get3A_346 = arith.index_cast %mul3A_284 : i32 to index
        %get3A_347 = tpu.vector_load %get3A_344[%get3A_345, %get3A_346] {strides = array<i32>} : memref<4x1792xf32, #tpu.memory_space<vmem>>, vector<16xf32>,
        %mul3A_348 = arith.mulf %get3A_299, %get3A_331 : vector<16xf32>
        %mul3A_349 = arith.mulf %get3A_307, %get3A_339 : vector<16xf32>
        %mul3A_350 = arith.mulf %get3A_315, %get3A_347 : vector<16xf32>
        %mul3A_351 = arith.mulf %get3A_299, %get3A_339 : vector<16xf32>
        %mul3A_352 = arith.mulf %get3A_307, %get3A_331 : vector<16xf32>
        %mul3A_353 = arith.mulf %get3A_299, %get3A_347 : vector<16xf32>
        %mul3A_354 = arith.mulf %get3A_315, %get3A_331 : vector<16xf32>
        %mul3A_355 = arith.mulf %get3A_307, %get3A_347 : vector<16xf32>
        %mul3A_356 = arith.mulf %get3A_315, %get3A_339 : vector<16xf32>
        %mul3A_357 = arith.mulf %get3A_291, %get3A_323 : vector<16xf32>
        %swap3A = arith.constant 0 : i32
        %swap3A_358 = arith.constant 0 : i32
        %swap3A_359 = arith.constant 0 : i32
        %swap3A_360 = tpu.memref_slice %arg7[%scan3A_247, %swap3A_358, %swap3A_359] : memref<2x16x1792xf32, #tpu.memory_space<vmem>> -> memref<1x16x1792xf32, #tpu.memory_space<vmem>>
        %swap3A_361 = tpu.memref_squeeze %swap3A_360 : memref<1x16x1792xf32, #tpu.memory_space<vmem>> -> memref<16x1792xf32, #tpu.memory_space<vmem>>
        %swap3A_362 = arith.index_cast %swap3A : i32 to index
        %swap3A_363 = arith.index_cast %mul3A_284 : i32 to index
        %swap3A_364 = tpu.vector_load %swap3A_361[%swap3A_362, %swap3A_363] {strides = array<i32>} : memref<16x1792xf32, #tpu.memory_space<vmem>>, vector<16xf32>,
        tpu.vector_store %swap3A_361[%swap3A_362, %swap3A_363], %mul3A_357 {strides = array<i32>} : memref<16x1792xf32, #tpu.memory_space<vmem>>, vector<16xf32>,
        %mul3A_365 = arith.constant 5.773500e-01 : f32
        %mul3A_366 = vector.broadcast %mul3A_365 : f32 to vector<16xf32>
        %mul3A_367 = arith.mulf %mul3A_366, %mul3A_348 : vector<16xf32>
        %mul3A_368 = arith.constant 5.773500e-01 : f32
        %mul3A_369 = vector.broadcast %mul3A_368 : f32 to vector<16xf32>
        %mul3A_370 = arith.mulf %mul3A_369, %mul3A_349 : vector<16xf32>
        %add3A_371 = arith.addf %mul3A_367, %mul3A_370 : vector<16xf32>
        %mul3A_372 = arith.constant 5.773500e-01 : f32
        %mul3A_373 = vector.broadcast %mul3A_372 : f32 to vector<16xf32>
        %mul3A_374 = arith.mulf %mul3A_373, %mul3A_350 : vector<16xf32>
        %add3A_375 = arith.addf %add3A_371, %mul3A_374 : vector<16xf32>
        %swap3A_376 = arith.constant 1 : i32
        %swap3A_377 = arith.constant 0 : i32
        %swap3A_378 = arith.constant 0 : i32
        %swap3A_379 = tpu.memref_slice %arg7[%scan3A_247, %swap3A_377, %swap3A_378] : memref<2x16x1792xf32, #tpu.memory_space<vmem>> -> memref<1x16x1792xf32, #tpu.memory_space<vmem>>
        %swap3A_380 = tpu.memref_squeeze %swap3A_379 : memref<1x16x1792xf32, #tpu.memory_space<vmem>> -> memref<16x1792xf32, #tpu.memory_space<vmem>>
        %swap3A_381 = arith.index_cast %swap3A_376 : i32 to index
        %swap3A_382 = arith.index_cast %mul3A_284 : i32 to index
        %swap3A_383 = tpu.vector_load %swap3A_380[%swap3A_381, %swap3A_382] {strides = array<i32>} : memref<16x1792xf32, #tpu.memory_space<vmem>>, vector<16xf32>,
        tpu.vector_store %swap3A_380[%swap3A_381, %swap3A_382], %add3A_375 {strides = array<i32>} : memref<16x1792xf32, #tpu.memory_space<vmem>>, vector<16xf32>,
        %mul3A_384 = arith.mulf %get3A_291, %get3A_331 : vector<16xf32>
        %swap3A_385 = arith.constant 2 : i32
        %swap3A_386 = arith.constant 0 : i32
        %swap3A_387 = arith.constant 0 : i32
        %swap3A_388 = tpu.memref_slice %arg7[%scan3A_247, %swap3A_386, %swap3A_387] : memref<2x16x1792xf32, #tpu.memory_space<vmem>> -> memref<1x16x1792xf32, #tpu.memory_space<vmem>>
        %swap3A_389 = tpu.memref_squeeze %swap3A_388 : memref<1x16x1792xf32, #tpu.memory_space<vmem>> -> memref<16x1792xf32, #tpu.memory_space<vmem>>
        %swap3A_390 = arith.index_cast %swap3A_385 : i32 to index
        %swap3A_391 = arith.index_cast %mul3A_284 : i32 to index
        %swap3A_392 = tpu.vector_load %swap3A_389[%swap3A_390, %swap3A_391] {strides = array<i32>} : memref<16x1792xf32, #tpu.memory_space<vmem>>, vector<16xf32>,
        tpu.vector_store %swap3A_389[%swap3A_390, %swap3A_391], %mul3A_384 {strides = array<i32>} : memref<16x1792xf32, #tpu.memory_space<vmem>>, vector<16xf32>,
        %mul3A_393 = arith.mulf %get3A_291, %get3A_339 : vector<16xf32>
        %swap3A_394 = arith.constant 3 : i32
        %swap3A_395 = arith.constant 0 : i32
        %swap3A_396 = arith.constant 0 : i32
        %swap3A_397 = tpu.memref_slice %arg7[%scan3A_247, %swap3A_395, %swap3A_396] : memref<2x16x1792xf32, #tpu.memory_space<vmem>> -> memref<1x16x1792xf32, #tpu.memory_space<vmem>>
        %swap3A_398 = tpu.memref_squeeze %swap3A_397 : memref<1x16x1792xf32, #tpu.memory_space<vmem>> -> memref<16x1792xf32, #tpu.memory_space<vmem>>
        %swap3A_399 = arith.index_cast %swap3A_394 : i32 to index
        %swap3A_400 = arith.index_cast %mul3A_284 : i32 to index
        %swap3A_401 = tpu.vector_load %swap3A_398[%swap3A_399, %swap3A_400] {strides = array<i32>} : memref<16x1792xf32, #tpu.memory_space<vmem>>, vector<16xf32>,
        tpu.vector_store %swap3A_398[%swap3A_399, %swap3A_400], %mul3A_393 {strides = array<i32>} : memref<16x1792xf32, #tpu.memory_space<vmem>>, vector<16xf32>,
        %mul3A_402 = arith.mulf %get3A_291, %get3A_347 : vector<16xf32>
        %swap3A_403 = arith.constant 4 : i32
        %swap3A_404 = arith.constant 0 : i32
        %swap3A_405 = arith.constant 0 : i32
        %swap3A_406 = tpu.memref_slice %arg7[%scan3A_247, %swap3A_404, %swap3A_405] : memref<2x16x1792xf32, #tpu.memory_space<vmem>> -> memref<1x16x1792xf32, #tpu.memory_space<vmem>>
        %swap3A_407 = tpu.memref_squeeze %swap3A_406 : memref<1x16x1792xf32, #tpu.memory_space<vmem>> -> memref<16x1792xf32, #tpu.memory_space<vmem>>
        %swap3A_408 = arith.index_cast %swap3A_403 : i32 to index
        %swap3A_409 = arith.index_cast %mul3A_284 : i32 to index
        %swap3A_410 = tpu.vector_load %swap3A_407[%swap3A_408, %swap3A_409] {strides = array<i32>} : memref<16x1792xf32, #tpu.memory_space<vmem>>, vector<16xf32>,
        tpu.vector_store %swap3A_407[%swap3A_408, %swap3A_409], %mul3A_402 {strides = array<i32>} : memref<16x1792xf32, #tpu.memory_space<vmem>>, vector<16xf32>,
        %mul3A_411 = arith.mulf %get3A_299, %get3A_323 : vector<16xf32>
        %swap3A_412 = arith.constant 5 : i32
        %swap3A_413 = arith.constant 0 : i32
        %swap3A_414 = arith.constant 0 : i32
        %swap3A_415 = tpu.memref_slice %arg7[%scan3A_247, %swap3A_413, %swap3A_414] : memref<2x16x1792xf32, #tpu.memory_space<vmem>> -> memref<1x16x1792xf32, #tpu.memory_space<vmem>>
        %swap3A_416 = tpu.memref_squeeze %swap3A_415 : memref<1x16x1792xf32, #tpu.memory_space<vmem>> -> memref<16x1792xf32, #tpu.memory_space<vmem>>
        %swap3A_417 = arith.index_cast %swap3A_412 : i32 to index
        %swap3A_418 = arith.index_cast %mul3A_284 : i32 to index
        %swap3A_419 = tpu.vector_load %swap3A_416[%swap3A_417, %swap3A_418] {strides = array<i32>} : memref<16x1792xf32, #tpu.memory_space<vmem>>, vector<16xf32>,
        tpu.vector_store %swap3A_416[%swap3A_417, %swap3A_418], %mul3A_411 {strides = array<i32>} : memref<16x1792xf32, #tpu.memory_space<vmem>>, vector<16xf32>,
        %mul3A_420 = arith.mulf %get3A_307, %get3A_323 : vector<16xf32>
        %swap3A_421 = arith.constant 6 : i32
        %swap3A_422 = arith.constant 0 : i32
        %swap3A_423 = arith.constant 0 : i32
        %swap3A_424 = tpu.memref_slice %arg7[%scan3A_247, %swap3A_422, %swap3A_423] : memref<2x16x1792xf32, #tpu.memory_space<vmem>> -> memref<1x16x1792xf32, #tpu.memory_space<vmem>>
        %swap3A_425 = tpu.memref_squeeze %swap3A_424 : memref<1x16x1792xf32, #tpu.memory_space<vmem>> -> memref<16x1792xf32, #tpu.memory_space<vmem>>
        %swap3A_426 = arith.index_cast %swap3A_421 : i32 to index
        %swap3A_427 = arith.index_cast %mul3A_284 : i32 to index
        %swap3A_428 = tpu.vector_load %swap3A_425[%swap3A_426, %swap3A_427] {strides = array<i32>} : memref<16x1792xf32, #tpu.memory_space<vmem>>, vector<16xf32>,
        tpu.vector_store %swap3A_425[%swap3A_426, %swap3A_427], %mul3A_420 {strides = array<i32>} : memref<16x1792xf32, #tpu.memory_space<vmem>>, vector<16xf32>,
        %mul3A_429 = arith.mulf %get3A_315, %get3A_323 : vector<16xf32>
        %swap3A_430 = arith.constant 7 : i32
        %swap3A_431 = arith.constant 0 : i32
        %swap3A_432 = arith.constant 0 : i32
        %swap3A_433 = tpu.memref_slice %arg7[%scan3A_247, %swap3A_431, %swap3A_432] : memref<2x16x1792xf32, #tpu.memory_space<vmem>> -> memref<1x16x1792xf32, #tpu.memory_space<vmem>>
        %swap3A_434 = tpu.memref_squeeze %swap3A_433 : memref<1x16x1792xf32, #tpu.memory_space<vmem>> -> memref<16x1792xf32, #tpu.memory_space<vmem>>
        %swap3A_435 = arith.index_cast %swap3A_430 : i32 to index
        %swap3A_436 = arith.index_cast %mul3A_284 : i32 to index
        %swap3A_437 = tpu.vector_load %swap3A_434[%swap3A_435, %swap3A_436] {strides = array<i32>} : memref<16x1792xf32, #tpu.memory_space<vmem>>, vector<16xf32>,
        tpu.vector_store %swap3A_434[%swap3A_435, %swap3A_436], %mul3A_429 {strides = array<i32>} : memref<16x1792xf32, #tpu.memory_space<vmem>>, vector<16xf32>,
        %mul3A_438 = arith.constant 0.707109987 : f32
        %mul3A_439 = vector.broadcast %mul3A_438 : f32 to vector<16xf32>
        %mul3A_440 = arith.mulf %mul3A_439, %mul3A_355 : vector<16xf32>
        %mul3A_441 = arith.constant 0.707109987 : f32
        %mul3A_442 = vector.broadcast %mul3A_441 : f32 to vector<16xf32>
        %mul3A_443 = arith.mulf %mul3A_442, %mul3A_356 : vector<16xf32>
        %sub3A = arith.subf %mul3A_440, %mul3A_443 : vector<16xf32>
        %swap3A_444 = arith.constant 8 : i32
        %swap3A_445 = arith.constant 0 : i32
        %swap3A_446 = arith.constant 0 : i32
        %swap3A_447 = tpu.memref_slice %arg7[%scan3A_247, %swap3A_445, %swap3A_446] : memref<2x16x1792xf32, #tpu.memory_space<vmem>> -> memref<1x16x1792xf32, #tpu.memory_space<vmem>>
        %swap3A_448 = tpu.memref_squeeze %swap3A_447 : memref<1x16x1792xf32, #tpu.memory_space<vmem>> -> memref<16x1792xf32, #tpu.memory_space<vmem>>
        %swap3A_449 = arith.index_cast %swap3A_444 : i32 to index
        %swap3A_450 = arith.index_cast %mul3A_284 : i32 to index
        %swap3A_451 = tpu.vector_load %swap3A_448[%swap3A_449, %swap3A_450] {strides = array<i32>} : memref<16x1792xf32, #tpu.memory_space<vmem>>, vector<16xf32>,
        tpu.vector_store %swap3A_448[%swap3A_449, %swap3A_450], %sub3A {strides = array<i32>} : memref<16x1792xf32, #tpu.memory_space<vmem>>, vector<16xf32>,
        %mul3A_452 = arith.constant 0.707109987 : f32
        %mul3A_453 = vector.broadcast %mul3A_452 : f32 to vector<16xf32>
        %mul3A_454 = arith.mulf %mul3A_453, %mul3A_354 : vector<16xf32>
        %mul3A_455 = arith.constant 0.707109987 : f32
        %mul3A_456 = vector.broadcast %mul3A_455 : f32 to vector<16xf32>
        %mul3A_457 = arith.mulf %mul3A_456, %mul3A_353 : vector<16xf32>
        %sub3A_458 = arith.subf %mul3A_454, %mul3A_457 : vector<16xf32>
        %swap3A_459 = arith.constant 9 : i32
        %swap3A_460 = arith.constant 0 : i32
        %swap3A_461 = arith.constant 0 : i32
        %swap3A_462 = tpu.memref_slice %arg7[%scan3A_247, %swap3A_460, %swap3A_461] : memref<2x16x1792xf32, #tpu.memory_space<vmem>> -> memref<1x16x1792xf32, #tpu.memory_space<vmem>>
        %swap3A_463 = tpu.memref_squeeze %swap3A_462 : memref<1x16x1792xf32, #tpu.memory_space<vmem>> -> memref<16x1792xf32, #tpu.memory_space<vmem>>
        %swap3A_464 = arith.index_cast %swap3A_459 : i32 to index
        %swap3A_465 = arith.index_cast %mul3A_284 : i32 to index
        %swap3A_466 = tpu.vector_load %swap3A_463[%swap3A_464, %swap3A_465] {strides = array<i32>} : memref<16x1792xf32, #tpu.memory_space<vmem>>, vector<16xf32>,
        tpu.vector_store %swap3A_463[%swap3A_464, %swap3A_465], %sub3A_458 {strides = array<i32>} : memref<16x1792xf32, #tpu.memory_space<vmem>>, vector<16xf32>,
        %mul3A_467 = arith.constant 0.707109987 : f32
        %mul3A_468 = vector.broadcast %mul3A_467 : f32 to vector<16xf32>
        %mul3A_469 = arith.mulf %mul3A_468, %mul3A_351 : vector<16xf32>
        %mul3A_470 = arith.constant 0.707109987 : f32
        %mul3A_471 = vector.broadcast %mul3A_470 : f32 to vector<16xf32>
        %mul3A_472 = arith.mulf %mul3A_471, %mul3A_352 : vector<16xf32>
        %sub3A_473 = arith.subf %mul3A_469, %mul3A_472 : vector<16xf32>
        %swap3A_474 = arith.constant 10 : i32
        %swap3A_475 = arith.constant 0 : i32
        %swap3A_476 = arith.constant 0 : i32
        %swap3A_477 = tpu.memref_slice %arg7[%scan3A_247, %swap3A_475, %swap3A_476] : memref<2x16x1792xf32, #tpu.memory_space<vmem>> -> memref<1x16x1792xf32, #tpu.memory_space<vmem>>
        %swap3A_478 = tpu.memref_squeeze %swap3A_477 : memref<1x16x1792xf32, #tpu.memory_space<vmem>> -> memref<16x1792xf32, #tpu.memory_space<vmem>>
        %swap3A_479 = arith.index_cast %swap3A_474 : i32 to index
        %swap3A_480 = arith.index_cast %mul3A_284 : i32 to index
        %swap3A_481 = tpu.vector_load %swap3A_478[%swap3A_479, %swap3A_480] {strides = array<i32>} : memref<16x1792xf32, #tpu.memory_space<vmem>>, vector<16xf32>,
        tpu.vector_store %swap3A_478[%swap3A_479, %swap3A_480], %sub3A_473 {strides = array<i32>} : memref<16x1792xf32, #tpu.memory_space<vmem>>, vector<16xf32>,
        %mul3A_482 = arith.constant 0.707109987 : f32
        %mul3A_483 = vector.broadcast %mul3A_482 : f32 to vector<16xf32>
        %mul3A_484 = arith.mulf %mul3A_483, %mul3A_354 : vector<16xf32>
        %mul3A_485 = arith.constant 0.707109987 : f32
        %mul3A_486 = vector.broadcast %mul3A_485 : f32 to vector<16xf32>
        %mul3A_487 = arith.mulf %mul3A_486, %mul3A_353 : vector<16xf32>
        %add3A_488 = arith.addf %mul3A_484, %mul3A_487 : vector<16xf32>
        %swap3A_489 = arith.constant 11 : i32
        %swap3A_490 = arith.constant 0 : i32
        %swap3A_491 = arith.constant 0 : i32
        %swap3A_492 = tpu.memref_slice %arg7[%scan3A_247, %swap3A_490, %swap3A_491] : memref<2x16x1792xf32, #tpu.memory_space<vmem>> -> memref<1x16x1792xf32, #tpu.memory_space<vmem>>
        %swap3A_493 = tpu.memref_squeeze %swap3A_492 : memref<1x16x1792xf32, #tpu.memory_space<vmem>> -> memref<16x1792xf32, #tpu.memory_space<vmem>>
        %swap3A_494 = arith.index_cast %swap3A_489 : i32 to index
        %swap3A_495 = arith.index_cast %mul3A_284 : i32 to index
        %swap3A_496 = tpu.vector_load %swap3A_493[%swap3A_494, %swap3A_495] {strides = array<i32>} : memref<16x1792xf32, #tpu.memory_space<vmem>>, vector<16xf32>,
        tpu.vector_store %swap3A_493[%swap3A_494, %swap3A_495], %add3A_488 {strides = array<i32>} : memref<16x1792xf32, #tpu.memory_space<vmem>>, vector<16xf32>,
        %mul3A_497 = arith.constant 0.707109987 : f32
        %mul3A_498 = vector.broadcast %mul3A_497 : f32 to vector<16xf32>
        %mul3A_499 = arith.mulf %mul3A_498, %mul3A_351 : vector<16xf32>
        %mul3A_500 = arith.constant 0.707109987 : f32
        %mul3A_501 = vector.broadcast %mul3A_500 : f32 to vector<16xf32>
        %mul3A_502 = arith.mulf %mul3A_501, %mul3A_352 : vector<16xf32>
        %add3A_503 = arith.addf %mul3A_499, %mul3A_502 : vector<16xf32>
        %swap3A_504 = arith.constant 12 : i32
        %swap3A_505 = arith.constant 0 : i32
        %swap3A_506 = arith.constant 0 : i32
        %swap3A_507 = tpu.memref_slice %arg7[%scan3A_247, %swap3A_505, %swap3A_506] : memref<2x16x1792xf32, #tpu.memory_space<vmem>> -> memref<1x16x1792xf32, #tpu.memory_space<vmem>>
        %swap3A_508 = tpu.memref_squeeze %swap3A_507 : memref<1x16x1792xf32, #tpu.memory_space<vmem>> -> memref<16x1792xf32, #tpu.memory_space<vmem>>
        %swap3A_509 = arith.index_cast %swap3A_504 : i32 to index
        %swap3A_510 = arith.index_cast %mul3A_284 : i32 to index
        %swap3A_511 = tpu.vector_load %swap3A_508[%swap3A_509, %swap3A_510] {strides = array<i32>} : memref<16x1792xf32, #tpu.memory_space<vmem>>, vector<16xf32>,
        tpu.vector_store %swap3A_508[%swap3A_509, %swap3A_510], %add3A_503 {strides = array<i32>} : memref<16x1792xf32, #tpu.memory_space<vmem>>, vector<16xf32>,
        %mul3A_512 = arith.constant 8.165000e-01 : f32
        %mul3A_513 = vector.broadcast %mul3A_512 : f32 to vector<16xf32>
        %mul3A_514 = arith.mulf %mul3A_513, %mul3A_349 : vector<16xf32>
        %mul3A_515 = arith.constant 4.082500e-01 : f32
        %mul3A_516 = vector.broadcast %mul3A_515 : f32 to vector<16xf32>
        %mul3A_517 = arith.mulf %mul3A_516, %mul3A_348 : vector<16xf32>
        %sub3A_518 = arith.subf %mul3A_514, %mul3A_517 : vector<16xf32>
        %mul3A_519 = arith.constant 4.082500e-01 : f32
        %mul3A_520 = vector.broadcast %mul3A_519 : f32 to vector<16xf32>
        %mul3A_521 = arith.mulf %mul3A_520, %mul3A_350 : vector<16xf32>
        %sub3A_522 = arith.subf %sub3A_518, %mul3A_521 : vector<16xf32>
        %swap3A_523 = arith.constant 13 : i32
        %swap3A_524 = arith.constant 0 : i32
        %swap3A_525 = arith.constant 0 : i32
        %swap3A_526 = tpu.memref_slice %arg7[%scan3A_247, %swap3A_524, %swap3A_525] : memref<2x16x1792xf32, #tpu.memory_space<vmem>> -> memref<1x16x1792xf32, #tpu.memory_space<vmem>>
        %swap3A_527 = tpu.memref_squeeze %swap3A_526 : memref<1x16x1792xf32, #tpu.memory_space<vmem>> -> memref<16x1792xf32, #tpu.memory_space<vmem>>
        %swap3A_528 = arith.index_cast %swap3A_523 : i32 to index
        %swap3A_529 = arith.index_cast %mul3A_284 : i32 to index
        %swap3A_530 = tpu.vector_load %swap3A_527[%swap3A_528, %swap3A_529] {strides = array<i32>} : memref<16x1792xf32, #tpu.memory_space<vmem>>, vector<16xf32>,
        tpu.vector_store %swap3A_527[%swap3A_528, %swap3A_529], %sub3A_522 {strides = array<i32>} : memref<16x1792xf32, #tpu.memory_space<vmem>>, vector<16xf32>,
        %mul3A_531 = arith.constant 0.707109987 : f32
        %mul3A_532 = vector.broadcast %mul3A_531 : f32 to vector<16xf32>
        %mul3A_533 = arith.mulf %mul3A_532, %mul3A_356 : vector<16xf32>
        %mul3A_534 = arith.constant 0.707109987 : f32
        %mul3A_535 = vector.broadcast %mul3A_534 : f32 to vector<16xf32>
        %mul3A_536 = arith.mulf %mul3A_535, %mul3A_355 : vector<16xf32>
        %add3A_537 = arith.addf %mul3A_533, %mul3A_536 : vector<16xf32>
        %swap3A_538 = arith.constant 14 : i32
        %swap3A_539 = arith.constant 0 : i32
        %swap3A_540 = arith.constant 0 : i32
        %swap3A_541 = tpu.memref_slice %arg7[%scan3A_247, %swap3A_539, %swap3A_540] : memref<2x16x1792xf32, #tpu.memory_space<vmem>> -> memref<1x16x1792xf32, #tpu.memory_space<vmem>>
        %swap3A_542 = tpu.memref_squeeze %swap3A_541 : memref<1x16x1792xf32, #tpu.memory_space<vmem>> -> memref<16x1792xf32, #tpu.memory_space<vmem>>
        %swap3A_543 = arith.index_cast %swap3A_538 : i32 to index
        %swap3A_544 = arith.index_cast %mul3A_284 : i32 to index
        %swap3A_545 = tpu.vector_load %swap3A_542[%swap3A_543, %swap3A_544] {strides = array<i32>} : memref<16x1792xf32, #tpu.memory_space<vmem>>, vector<16xf32>,
        tpu.vector_store %swap3A_542[%swap3A_543, %swap3A_544], %add3A_537 {strides = array<i32>} : memref<16x1792xf32, #tpu.memory_space<vmem>>, vector<16xf32>,
        %mul3A_546 = arith.constant 0.707109987 : f32
        %mul3A_547 = vector.broadcast %mul3A_546 : f32 to vector<16xf32>
        %mul3A_548 = arith.mulf %mul3A_547, %mul3A_350 : vector<16xf32>
        %mul3A_549 = arith.constant 0.707109987 : f32
        %mul3A_550 = vector.broadcast %mul3A_549 : f32 to vector<16xf32>
        %mul3A_551 = arith.mulf %mul3A_550, %mul3A_348 : vector<16xf32>
        %sub3A_552 = arith.subf %mul3A_548, %mul3A_551 : vector<16xf32>
        %swap3A_553 = arith.constant 15 : i32
        %swap3A_554 = arith.constant 0 : i32
        %swap3A_555 = arith.constant 0 : i32
        %swap3A_556 = tpu.memref_slice %arg7[%scan3A_247, %swap3A_554, %swap3A_555] : memref<2x16x1792xf32, #tpu.memory_space<vmem>> -> memref<1x16x1792xf32, #tpu.memory_space<vmem>>
        %swap3A_557 = tpu.memref_squeeze %swap3A_556 : memref<1x16x1792xf32, #tpu.memory_space<vmem>> -> memref<16x1792xf32, #tpu.memory_space<vmem>>
        %swap3A_558 = arith.index_cast %swap3A_553 : i32 to index
        %swap3A_559 = arith.index_cast %mul3A_284 : i32 to index
        %swap3A_560 = tpu.vector_load %swap3A_557[%swap3A_558, %swap3A_559] {strides = array<i32>} : memref<16x1792xf32, #tpu.memory_space<vmem>>, vector<16xf32>,
        tpu.vector_store %swap3A_557[%swap3A_558, %swap3A_559], %sub3A_552 {strides = array<i32>} : memref<16x1792xf32, #tpu.memory_space<vmem>>, vector<16xf32>,
      }
      %scan3A_252 = arith.constant 112 : i32
      %mul3A_253 = arith.constant 2 : i32
      %mul3A_254 = arith.muli %mul3A_253, %scan3A_79 : i32
      %add3A_255 = arith.constant 1 : i32
      %add3A_256 = arith.addi %mul3A_254, %add3A_255 : i32
      %mul3A_257 = arith.constant 32 : i32
      %mul3A_258 = arith.muli %add3A_256, %mul3A_257 : i32
      %add3A_259 = arith.addi %mul3A_258, %add3A : i32
      %mul3A_260 = arith.constant 14 : i32
      %mul3A_261 = arith.muli %add3A_259, %mul3A_260 : i32
      %min3A_262 = arith.constant 12486 : i32
      %min3A_263 = arith.minsi %mul3A_261, %min3A_262 : i32
      %mul3A_264 = arith.constant 128 : i32
      %mul3A_265 = arith.muli %min3A_263, %mul3A_264 : i32
      %dma_start3A_266 = arith.constant 1 : i32
      %dma_start3A_267 = arith.constant 1 : i32
      %dma_start3A_268 = arith.constant 0 : i32
      %dma_start3A_269 = arith.constant 0 : i32
      %dma_start3A_270 = tpu.memref_slice %arg7[%dma_start3A_266, %dma_start3A_268, %dma_start3A_269] : memref<2x16x1792xf32, #tpu.memory_space<vmem>> -> memref<1x16x1792xf32, #tpu.memory_space<vmem>>
      %dma_start3A_271 = tpu.memref_squeeze %dma_start3A_270 : memref<1x16x1792xf32, #tpu.memory_space<vmem>> -> memref<16x1792xf32, #tpu.memory_space<vmem>>
      %dma_start3A_272 = arith.constant 0 : i32
      %dma_start3A_273 = tpu.memref_slice %arg4[%dma_start3A_272, %mul3A_265] : memref<16x1600000xf32, #tpu.memory_space<hbm>> -> memref<16x1792xf32, #tpu.memory_space<hbm>>
      %dma_start3A_274 = tpu.memref_slice %arg10[%dma_start3A_267] : memref<2x!tpu.dma_semaphore, #tpu.memory_space<semaphore_mem>> -> memref<1x!tpu.dma_semaphore, #tpu.memory_space<semaphore_mem>>
      %dma_start3A_275 = tpu.memref_squeeze %dma_start3A_274 : memref<1x!tpu.dma_semaphore, #tpu.memory_space<semaphore_mem>> -> memref<!tpu.dma_semaphore, #tpu.memory_space<semaphore_mem>>
      %dma_start3A_276 = arith.constant 0 : i32
      %dma_start3A_277 = tpu.memref_slice %arg4[%dma_start3A_276, %mul3A_265] : memref<16x1600000xf32, #tpu.memory_space<hbm>> -> memref<16x1792xf32, #tpu.memory_space<hbm>>
      %dma_start3A_278 = arith.constant 0 : i32
      %dma_start3A_279 = arith.constant 0 : i32
      %dma_start3A_280 = tpu.memref_slice %arg7[%dma_start3A_266, %dma_start3A_278, %dma_start3A_279] : memref<2x16x1792xf32, #tpu.memory_space<vmem>> -> memref<1x16x1792xf32, #tpu.memory_space<vmem>>
      %dma_start3A_281 = tpu.memref_squeeze %dma_start3A_280 : memref<1x16x1792xf32, #tpu.memory_space<vmem>> -> memref<16x1792xf32, #tpu.memory_space<vmem>>
      tpu.enqueue_dma source(%dma_start3A_281 : memref<16x1792xf32, #tpu.memory_space<vmem>>) target(%dma_start3A_277 : memref<16x1792xf32, #tpu.memory_space<hbm>>) target_semaphore(%dma_start3A_275 : memref<!tpu.dma_semaphore, #tpu.memory_space<semaphore_mem>>)
    }
    %scan3A_43 = arith.constant 14 : i32
    %dma_wait3A = arith.constant 0 : i32
    %dma_wait3A_44 = arith.constant 0 : i32
    %dma_wait3A_45 = arith.constant 0 : i32
    %dma_wait3A_46 = arith.constant 0 : i32
    %dma_wait3A_47 = tpu.memref_slice %arg7[%dma_wait3A, %dma_wait3A_45, %dma_wait3A_46] : memref<2x16x1792xf32, #tpu.memory_space<vmem>> -> memref<1x16x1792xf32, #tpu.memory_space<vmem>>
    %dma_wait3A_48 = tpu.memref_squeeze %dma_wait3A_47 : memref<1x16x1792xf32, #tpu.memory_space<vmem>> -> memref<16x1792xf32, #tpu.memory_space<vmem>>
    %dma_wait3A_49 = arith.constant 0 : i32
    %dma_wait3A_50 = arith.constant 0 : i32
    %dma_wait3A_51 = tpu.memref_slice %arg4[%dma_wait3A_49, %dma_wait3A_50] : memref<16x1600000xf32, #tpu.memory_space<hbm>> -> memref<16x1792xf32, #tpu.memory_space<hbm>>
    %dma_wait3A_52 = tpu.memref_slice %arg10[%dma_wait3A_44] : memref<2x!tpu.dma_semaphore, #tpu.memory_space<semaphore_mem>> -> memref<1x!tpu.dma_semaphore, #tpu.memory_space<semaphore_mem>>
    %dma_wait3A_53 = tpu.memref_squeeze %dma_wait3A_52 : memref<1x!tpu.dma_semaphore, #tpu.memory_space<semaphore_mem>> -> memref<!tpu.dma_semaphore, #tpu.memory_space<semaphore_mem>>
    %dma_wait3A_54 = arith.constant 0 : i32
    %dma_wait3A_55 = arith.constant 0 : i32
    %dma_wait3A_56 = tpu.memref_slice %arg4[%dma_wait3A_54, %dma_wait3A_55] : memref<16x1600000xf32, #tpu.memory_space<hbm>> -> memref<16x1792xf32, #tpu.memory_space<hbm>>
    %dma_wait3A_57 = arith.constant 0 : i32
    %dma_wait3A_58 = arith.constant 0 : i32
    %dma_wait3A_59 = tpu.memref_slice %arg7[%dma_wait3A, %dma_wait3A_57, %dma_wait3A_58] : memref<2x16x1792xf32, #tpu.memory_space<vmem>> -> memref<1x16x1792xf32, #tpu.memory_space<vmem>>
    %dma_wait3A_60 = tpu.memref_squeeze %dma_wait3A_59 : memref<1x16x1792xf32, #tpu.memory_space<vmem>> -> memref<16x1792xf32, #tpu.memory_space<vmem>>
    tpu.wait_dma2 semaphore(%dma_wait3A_53 : memref<!tpu.dma_semaphore, #tpu.memory_space<semaphore_mem>>) src(%dma_wait3A_60 : memref<16x1792xf32, #tpu.memory_space<vmem>>) dst(%dma_wait3A_56 : memref<16x1792xf32, #tpu.memory_space<hbm>>)
    %dma_wait3A_61 = arith.constant 1 : i32
    %dma_wait3A_62 = arith.constant 1 : i32
    %dma_wait3A_63 = arith.constant 0 : i32
    %dma_wait3A_64 = arith.constant 0 : i32
    %dma_wait3A_65 = tpu.memref_slice %arg7[%dma_wait3A_61, %dma_wait3A_63, %dma_wait3A_64] : memref<2x16x1792xf32, #tpu.memory_space<vmem>> -> memref<1x16x1792xf32, #tpu.memory_space<vmem>>
    %dma_wait3A_66 = tpu.memref_squeeze %dma_wait3A_65 : memref<1x16x1792xf32, #tpu.memory_space<vmem>> -> memref<16x1792xf32, #tpu.memory_space<vmem>>
    %dma_wait3A_67 = arith.constant 0 : i32
    %dma_wait3A_68 = arith.constant 0 : i32
    %dma_wait3A_69 = tpu.memref_slice %arg4[%dma_wait3A_67, %dma_wait3A_68] : memref<16x1600000xf32, #tpu.memory_space<hbm>> -> memref<16x1792xf32, #tpu.memory_space<hbm>>
    %dma_wait3A_70 = tpu.memref_slice %arg10[%dma_wait3A_62] : memref<2x!tpu.dma_semaphore, #tpu.memory_space<semaphore_mem>> -> memref<1x!tpu.dma_semaphore, #tpu.memory_space<semaphore_mem>>
    %dma_wait3A_71 = tpu.memref_squeeze %dma_wait3A_70 : memref<1x!tpu.dma_semaphore, #tpu.memory_space<semaphore_mem>> -> memref<!tpu.dma_semaphore, #tpu.memory_space<semaphore_mem>>
    %dma_wait3A_72 = arith.constant 0 : i32
    %dma_wait3A_73 = arith.constant 0 : i32
    %dma_wait3A_74 = tpu.memref_slice %arg4[%dma_wait3A_72, %dma_wait3A_73] : memref<16x1600000xf32, #tpu.memory_space<hbm>> -> memref<16x1792xf32, #tpu.memory_space<hbm>>
    %dma_wait3A_75 = arith.constant 0 : i32
    %dma_wait3A_76 = arith.constant 0 : i32
    %dma_wait3A_77 = tpu.memref_slice %arg7[%dma_wait3A_61, %dma_wait3A_75, %dma_wait3A_76] : memref<2x16x1792xf32, #tpu.memory_space<vmem>> -> memref<1x16x1792xf32, #tpu.memory_space<vmem>>
    %dma_wait3A_78 = tpu.memref_squeeze %dma_wait3A_77 : memref<1x16x1792xf32, #tpu.memory_space<vmem>> -> memref<16x1792xf32, #tpu.memory_space<vmem>>
    tpu.wait_dma2 semaphore(%dma_wait3A_71 : memref<!tpu.dma_semaphore, #tpu.memory_space<semaphore_mem>>) src(%dma_wait3A_78 : memref<16x1792xf32, #tpu.memory_space<vmem>>) dst(%dma_wait3A_74 : memref<16x1792xf32, #tpu.memory_space<hbm>>)
    return
  }
}

</mosaic_0001>

<sc_bundles>
// kernel: kernel.3.cloned.1.call-start
scs
__scs_entry_jumppad:
0x0: {  	(pc) =	sbr.rel $0x88, $3  }
0x1: {  	(tag) =	ssettag $0x0;
	lr =	simm.s32 $0x1  }
0x2: {  	[smem:$0x3F9F] =	sst lr;
	_ =	strace $0xD0000000  }
0x3: {  	_ = 	snop  }
0x4: {  	_ = 	snop  }
0x5: {  	_ = 	snop  }
0x6: {  	_ = 	snop  }
0x7: {  	_ = 	snop  }
__scs_overlays_trampoline_lowered:
0x8: {  	[smem:$0x3FAE] =	sst s0  }
0x9: {  	[smem:$0x3FAF] =	sst s1  }
0xa: {  	[smem:$0x3FB0] =	sst s2  }
0xb: {  	[smem:$0x3FB1] =	sst s3  }
0xc: {  	[smem:$0x3FB2] =	sst s4  }
0xd: {  	[smem:$0x3FB3] =	sst s5  }
0xe: {  	[smem:$0x3FB4] =	sst s6  }
0xf: {  	[smem:$0x3FB5] =	sst s7  }
0x10: {  	[smem:$0x3FB6] =	sst s8  }
0x11: {  	[smem:$0x3FB7] =	sst s9;
	s0 =	simm.s32 @!p0 $0x0  }
0x12: {  	s1 =	sld [smem:$0x3F9D];
	s0 =	simm.s32 @p0 $0x1  }
0x13: {  	[smem:$0x3FB8] =	sst s0;
	s0 =	simm.s32 @!p1 $0x0  }
0x14: {  	s2 =	sld [smem:$0x3F9C];
	s0 =	simm.s32 @p1 $0x1  }
0x15: {  	[smem:$0x3FB9] =	sst s0;
	s0 =	simm.s32 @!p2 $0x0  }
0x16: {  	s3 =	sld [smem:$0x3FDB];
	s0 =	simm.s32 @p2 $0x1  }
0x17: {  	s4 =	simm.s32 $0x1BF5;
	[smem:$0x3FBB] =	sst s0  }
0x18: {  	s0 =	sld [smem:$0x3F9E];
	_ =	swait.ge [sflag:s4], $0x0  }
0x19: {  	s7 =	sld [smem:$0x3F9F]  }
0x1a: {  	s8 =	sadd.s32 $0xFFFFE003, lr  }
0x1b: {  	s9 =	sadd.s32 $0xFFFFFEF7, lr;
	s5 =	simm.s32 $0xFFFFFFFF;
	p2 =	slt.u32 s8, $0xFFFFF086  }
0x1c: {  	p1 =	slt.u32 s9, $0xF7A;
	s5 =	simm.s32 @!p2 $0x0  }
0x1d: {  	s5 =	simm.s32 @p1 $0x1;
	p0 =	seq.s32 s7, s2  }
0x1e: {  	s7 =	smul.u32 @!p0 $0xF7A, s2;
	p2 =	seq.s32 @!p0 s5, $0x0  }
0x1f: {  	s9 =	smul.u32 $0xF7A, s1;
	s8 =	simm.s32 @!p0 $0x1BF5;
	p2 =	por !p2, p0  }
0x20: {  	[sflag:s8] =	ssyncset.s32 @!p0 $0xFFFFF086;
	s6 =	sadd.s32 @!p0 s3, s7;
	s7 =	simm.s32 @!p0 $0x108  }
0x21: {  	s3 =	sadd.s32 s3, s9;
	s6 =	sadd.s32 @!p0 $0x88, s6;
	s7 =	simm.s32 @p2 $0x1082  }
0x22: {  	[simem:s7], [sflag:s8] =	dma.local @!p0 [hbm:s6], $0xF7A  }
0x23: {  	s9 =	sor.u32 $0xD0000000, s2;
	s6 =	simm.s32 $0x108;
	_ =	swait.ge @!p0 [sflag:s8], $0x0  }
0x24: {  	s3 =	sadd.s32 $0x88, s3;
	s6 =	simm.s32 @!p1 $0x1082;
	[sflag:s4] =	ssyncset.s32 $0xFFFFF086  }
0x25: {  	[simem:s6], [sflag:s4] =	dma.local [hbm:s3], $0xF7A  }
0x26: {  	[smem:$0x3F9F] =	sst s1;
	(tag) =	ssettag s2;
	_ =	strace s9  }
0x27: {  	s1 =	sld [smem:$0x3FAF]  }
0x28: {  	s2 =	sld [smem:$0x3FB0]  }
0x29: {  	s4 =	sld [smem:$0x3FB2]  }
0x2a: {  	p0 =	seq.s32 s5, $0x0;
	s5 =	sld [smem:$0x3FB3]  }
0x2b: {  	s6 =	sld [smem:$0x3FB4]  }
0x2c: {  	s7 =	sld [smem:$0x3FB5]  }
0x2d: {  	s3 =	simm.s32 $0x108;
	s8 =	sld [smem:$0x3FB6]  }
0x2e: {  	s3 =	simm.s32 @!p0 $0x1082;
	s9 =	sld [smem:$0x3FB7]  }
0x2f: {  	lr =	sadd.s32 s0, s3;
	s0 =	sld [smem:$0x3FAE]  }
0x30: {  	s3 =	sld [smem:$0x3FB1]  }
0x31: {  	[smem:$0x3FBA] =	sst s10  }
0x32: {  	s10 =	sld [smem:$0x3FB8];
	_ =	sdelay $0x3  }
0x33: {  	p0 =	seq.s32 s10, $0x1;
	s10 =	sld [smem:$0x3FBA];
	_ =	sdelay $0x3  }
0x34: {  	[smem:$0x3FBA] =	sst s10  }
0x35: {  	s10 =	sld [smem:$0x3FB9];
	_ =	sdelay $0x3  }
0x36: {  	p1 =	seq.s32 s10, $0x1;
	s10 =	sld [smem:$0x3FBA];
	_ =	sdelay $0x3  }
0x37: {  	[smem:$0x3FBA] =	sst s10  }
0x38: {  	s10 =	sld [smem:$0x3FBB]  }
0x39: {  	_ = 	snop;
	(pc) =	sbr.ind lr, $3  }
0x3a: {  	_ = 	snop  }
0x3b: {  	_ = 	snop  }
0x3c: {  	p2 =	seq.s32 s10, $0x1;
	s10 =	sld [smem:$0x3FBA]  }
0x3d: {  	_ =	shalt  }
0x3e: {  	_ =	shalt  }
0x3f: {  	_ =	shalt  }
0x40: {  	_ =	shalt  }
0x41: {  	_ =	shalt  }
0x42: {  	_ =	shalt  }
0x43: {  	_ =	shalt  }
0x44: {  	_ =	shalt  }
0x45: {  	_ =	shalt  }
0x46: {  	_ =	shalt  }
0x47: {  	_ =	shalt  }
0x48: {  	_ =	shalt  }
0x49: {  	_ =	shalt  }
0x4a: {  	_ =	shalt  }
0x4b: {  	_ =	shalt  }
0x4c: {  	_ =	shalt  }
0x4d: {  	_ =	shalt  }
0x4e: {  	_ =	shalt  }
0x4f: {  	_ =	shalt  }
0x50: {  	_ =	shalt  }
0x51: {  	_ =	shalt  }
0x52: {  	_ =	shalt  }
0x53: {  	_ =	shalt  }
0x54: {  	_ =	shalt  }
0x55: {  	_ =	shalt  }
0x56: {  	_ =	shalt  }
0x57: {  	_ =	shalt  }
0x58: {  	_ =	shalt  }
0x59: {  	_ =	shalt  }
0x5a: {  	_ =	shalt  }
0x5b: {  	_ =	shalt  }
0x5c: {  	_ =	shalt  }
0x5d: {  	_ =	shalt  }
0x5e: {  	_ =	shalt  }
0x5f: {  	_ =	shalt  }
0x60: {  	_ =	shalt  }
0x61: {  	_ =	shalt  }
0x62: {  	_ =	shalt  }
0x63: {  	_ =	shalt  }
0x64: {  	_ =	shalt  }
0x65: {  	_ =	shalt  }
0x66: {  	_ =	shalt  }
0x67: {  	_ =	shalt  }
0x68: {  	_ =	shalt  }
0x69: {  	_ =	shalt  }
0x6a: {  	_ =	shalt  }
0x6b: {  	_ =	shalt  }
0x6c: {  	_ =	shalt  }
0x6d: {  	_ =	shalt  }
0x6e: {  	_ =	shalt  }
0x6f: {  	_ =	shalt  }
0x70: {  	_ =	shalt  }
0x71: {  	_ =	shalt  }
0x72: {  	_ =	shalt  }
0x73: {  	_ =	shalt  }
0x74: {  	_ =	shalt  }
0x75: {  	_ =	shalt  }
0x76: {  	_ =	shalt  }
0x77: {  	_ =	shalt  }
0x78: {  	_ =	shalt  }
0x79: {  	_ =	shalt  }
0x7a: {  	_ =	shalt  }
0x7b: {  	_ =	shalt  }
0x7c: {  	_ =	shalt  }
0x7d: {  	_ =	shalt  }
0x7e: {  	_ =	shalt  }
0x7f: {  	_ =	shalt  }
0x80: {  	_ =	shalt  }
0x81: {  	_ =	shalt  }
0x82: {  	_ =	shalt  }
0x83: {  	_ =	shalt  }
0x84: {  	_ =	shalt  }
0x85: {  	_ =	shalt  }
0x86: {  	_ =	shalt  }
0x87: {  	_ =	shalt  }
.Lfunc_end0:
.L_simem_size_0:
called_computation_lowered:
.L_overlay_start_0:
0x88: {  	s2 =	sld [smem:$0x3FD9]  }
0x89: {  	s3 =	sld [smem:$0x3FFE];
	_ =	sdelay $0x1  }
0x8a: {  	s1 =	srdreg.scid  }
0x8b: {  	s0 =	sand.u32 $0x1, s1  }
0x8c: {  	s18 =	sshll.u32 s0, $0xA;
	s2 =	sadd.s32 s3, s2  }
0x8d: {  	s2 =	sadd.s32 s2, s18  }
0x8e: {  	[smem:$0x3FC6] =	sst s2  }
0x8f: {  	_ = 	snop  }
0x90: {  	s2 =	sld [smem:$0x3FC9]  }
0x91: {  	s19 =	sld [smem:$0x3FC8]  }
0x92: {  	s4 =	sld [smem:$0x3FD0];
	(tm) =	ssettm $0x1  }
0x93: {  	s5 =	sld [smem:$0x3FFB];
	_ =	sdelay $0x3  }
0x94: {  	_ =	strace s5  }
0x95: {  	s5 =	sld [smem:$0x3FFC];
	_ =	sdelay $0x3  }
0x96: {  	_ =	strace s5  }
0x97: {  	s5 =	sld [smem:$0x3FFD];
	_ =	sdelay $0x3  }
0x98: {  	_ =	strace s5  }
0x99: {  	_ =	strace $0x8FFFFFFF  }
0x9a: {  	s20 =	sld [smem:$0x3FDB];
	_ =	sdelay $0x1  }
0x9b: {  	s6 =	simm.s32 $_scs_section_size  }
0x9c: {  	s7 =	simm.s32 $_size__tile_overlayer_lowered;
	s8 =	simm.s32 $_tile_overlayer_lowered  }
0x9d: {  	s23 =	simm.s32 $0x1BFF;
	s22 =	sshll.u32 s8, $0x1;
	s5 =	sadd.s32 s6, s20  }
0x9e: {  	s9 =	simm.s32 $0x0;
	s21 =	sshll.u32 s7, $0x1;
	s7 =	sadd.s32 s22, s5  }
0x9f: {  	[timem:s9], [sflag:s23] =	dma.local [hbm:s7], s21  }
0xa0: {  	_ =	swait.ge [sflag:s23], s21  }
0xa1: {  	s6 =	ssub.s32 $0x0, s21;
	[sflag:s23] =	ssyncset.done $0x0  }
0xa2: {  	[sflag:s23] =	ssyncadd.s32 s6;
	_ =	sdelay $0x1  }
0xa3: {  	s24 =	simm.s32 $0x1B8B  }
0xa4: {  	_ =	swait.ge [sflag:s24], $0x1  }
0xa5: {  	[sflag:s24] =	ssyncset.done $0x0  }
0xa6: {  	s25 =	simm.s32 $0x1B8E;
	[sflag:s24] =	ssyncadd.s32 $0xFFFFFFFF  }
0xa7: {  	s26 =	simm.s32 $execute0_lowered;
	[smem:$0x3FD2] =	sst s25  }
0xa8: {  	s6 =	sshll.u32 s26, $0x1;
	_ =	strace $0x80000046;
	[dreg:$0x1] =	wrdreg $0xFFFFFFFF  }
0xa9: {  	s28 =	simm.s32 $_size_execute0_lowered;
	s5 =	sadd.s32 s5, s6;
	[dreg:$0x0] =	wrdreg $0x0  }
0xaa: {  	s6 =	sshll.u32 s28, $0x1;
	[dreg:$0x2] =	wrdreg s5  }
0xab: {  	[dreg:$0x3] =	wrdreg s6  }
0xac: {  	[dreg:$0x4] =	wrdreg $0xC0  }
0xad: {  	_ =	task [dreg:s9], $0x5FFFF  }
0xae: {  	[dreg:$0x1] =	wrdreg $0xFFFFFFFF  }
0xaf: {  	[dreg:$0x0] =	wrdreg $0x60  }
0xb0: {  	[dreg:$0x2] =	wrdreg s2  }
0xb1: {  	[dreg:$0x3] =	wrdreg s19  }
0xb2: {  	[dreg:$0x4] =	wrdreg s4  }
0xb3: {  	[dreg:$0x5] =	wrdreg $0x9  }
0xb4: {  	_ =	task.clear_ibuf [dreg:s9], $0x6FFFF;
	_ =	strace $0x90000046  }
0xb5: {  	s29 =	simm.s32 $0x9;
	_ =	strace $0x80000048  }
0xb6: {  	_ =	swait.ge [sflag:s29], $0x1  }
0xb7: {  	[sflag:s29] =	ssyncadd.s32 $0xFFFFFFFF  }
0xb8: {  	_ =	strace $0x90000048  }
0xb9: {  	_ =	sfence  }
0xba: {  	s30 =	sld [smem:$0x0];
	_ =	sdelay $0x2  }
0xbb: {  	s31 =	sshll.u32 s1, $0xD;
	s1 =	sshrl.u32 s1, $0x2  }
0xbc: {  	s3 =	sand.u32 $0x4000, s31;
	s1 =	sadd.s32 s1, s30  }
0xbd: {  	s0 =	sor.u32 s3, s0;
	s1 =	sshll.u32 s1, $0x11  }
0xbe: {  	s0 =	sor.u32 s1, s0  }
0xbf: {  	s0 =	sadd.s32 $0x8F2B, s0  }
0xc0: {  	[sflag:s0] =	ssyncadd.remote.s32 $0x1  }
0xc1: {  	_ =	sfence.sel $0xFFFF  }
0xc2: {  	[dreg:$0x0] =	wrdreg $0xFFFFFFFF;
	(pc) =	sbr.abs _section_cstart, $3  }
0xc3: {  	[dreg:$0x1] =	wrdreg $0xFFFFFFFF  }
0xc4: {  	_ =	task.clear_ibuf [dreg:s9], $0x2FFFF;
	_ =	strace $0x9FFFFFFF  }
0xc5: {  	(tm) =	ssettm $0x7FFFFFFF  }
tec
execute0_lowered:
.L_overlay_start_1:
0x0: {  	(tag) =	ssettag $0x1  }
0x1: {  	s1 =	rddreg [dreg:$0x0]  }
0x2: {  	s3 =	rddreg [dreg:$0x1];
	s2 =	srdreg.scid  }
0x3: {  	s0 =	stileid.u32;
	s4 =	rddreg [dreg:$0x2];
	s5 =	simm.s32 $0x0  }
0x4: {  	s11 =	simm.s32 $0x3800;
	s12 =	simm.s32 $0x1C00;
	s13 =	simm.s32 $0x5400  }
0x5: {  	s14 =	simm.s32 $0x1;
	s15 =	simm.s32 $0x3;
	s16 =	simm.s32 $0xC35000  }
0x6: {  	s17 =	simm.s32 $0x7000;
	s18 =	simm.s32 $0x2;
	s19 =	simm.s32 $0x4  }
0x7: {  	s20 =	simm.s32 $0xE000;
	s2 =	sand.u32 $0x1, s2;
	s6 =	sshll.u32 s0, $0x1  }
0x8: {  	s21 =	simm.s32 $0x5;
	s22 =	simm.s32 $0x6;
	s6 =	sor.u32 s2, s6  }
0x9: {  	[smem:$0x7FF] =	sst s5;
	s2 =	ssub.s32 $0x2, s2;
	s8 =	smul.u32 $0x380, s6  }
0xa: {  	s23 =	simm.s32 $0x0;
	_ =	strace $0x80000047;
	s7 =	sshrl.u32 s2, $0x1  }
0xb: {  	s9 =	sor.u32 $0x40, s6;
	s2 =	ssub.s32 s2, s7;
	s31 =	sadd.s32 s1, s8  }
0xc: {  	s8 =	sadd.s32 s3, s8;
	s10 =	smax.u32 s2, $0x1;
	[dreg:$0x4] =	wrdreg s31  }
.LBB2_1:
0xd: {  	s0 =	rddreg [dreg:$0x4]  }
0xe: {  	[tilespmem:s5], [sflag:$0x1] =	stream.linear.gather [hbm4b:s0+s5], $0x1C00, $0x38;
	[tilespmem:$0x15000] =	vst v63  }
0xf: {  	s24 =	simm.s32 $0x0  }
0x10: {  	[tilespmem:s11], [sflag:$0x3] =	stream.linear.gather [hbm4b:s8+s5], $0x1C00, $0x38;
	[tilespmem:$0x15000] =	vst v63  }
.LBB2_2:
0x11: {  	s26 =	sshll.u32 s24, $0x6  }
0x12: {  	s28 =	sor.u32 s6, s26  }
0x13: {  	s2 =	smul.u32 $0xE, s28;
	_ =	sdelay $0x1  }
0x14: {  	s2 =	smin.u32 s2, $0x2F06  }
0x15: {  	s25 =	sadd.s32 $0x1C0, s2  }
0x16: {  	s2 =	sshll.u32 s25, $0x6  }
0x17: {  	s29 =	sadd.s32 s1, s2  }
0x18: {  	[tilespmem:s12], [sflag:$0x2] =	stream.linear.gather [hbm4b:s29+s5], $0x1C00, $0x38;
	[tilespmem:$0x15000] =	vst v63  }
0x19: {  	s2 =	sadd.s32 s3, s2  }
0x1a: {  	[tilespmem:s13], [sflag:$0x4] =	stream.linear.gather [hbm4b:s2+s5], $0x1C00, $0x38;
	[tilespmem:$0x15000] =	vst v63  }
0x1b: {  	_ =	swait.ge [sflag:s14], $0x1C00  }
0x1c: {  	[sflag:s14] =	ssyncset.done $0x0  }
0x1d: {  	[sflag:s14] =	ssyncadd.s32 $0xFFFFE400  }
0x1e: {  	_ =	swait.ge [sflag:s15], $0x1C00  }
0x1f: {  	p0 =	seq.s32 s24, $0x0;
	[sflag:s15] =	ssyncset.done $0x0  }
0x20: {  	s2 =	simm.s32 @!p0 $0x5;
	[sflag:s15] =	ssyncadd.s32 $0xFFFFE400  }
0x21: {  	s30 =	simm.s32 $0x0;
	s29 =	simm.s32 $0x0;
	_ =	swait.ge @!p0 [sflag:s2], $0x7000  }
0x22: {  	s31 =	sand.u32 $0x70, s30;
	s29 =	sand.u32 $0xFFFFFE00, s29;
	[sflag:s2] =	ssyncset.done @!p0 $0x0  }
0x23: {  	s7 =	sor.u32 s31, s29;
	[sflag:s2] =	ssyncadd.s32 @!p0 $0xFFFF9000  }
0x24: {  	v3 =	vld [tilespmem:s7+$0x0]  }
0x25: {  	v0 =	vld [tilespmem:s7+$0x3800]  }
0x26: {  	v6 =	vld [tilespmem:s7+$0x180]  }
0x27: {  	v7 =	vld [tilespmem:s7+$0x3900]  }
0x28: {  	v2 =	vld [tilespmem:s7+$0x3980]  }
0x29: {  	v9 =	vld [tilespmem:s7+$0x3880]  }
0x2a: {  	s29 =	simm.s32 $0x0;
	v5 =	vld [tilespmem:s7+$0x80]  }
0x2b: {  	s29 =	sand.u32 $0x3FFFFC00, s29;
	v4 =	vld [tilespmem:s7+$0x100];
	v1 =	vmul.f32 v0, v3  }
0x2c: {  	s29 =	sor.u32 s31, s29;
	v8 =	vmul.f32 v0, v6  }
0x2d: {  	v10 =	vmul.f32 v7, v6;
	v11 =	vmul.f32 v7, v3;
	[tilespmem:s29+$0x7000] =	vst v1  }
0x2e: {  	v12 =	vmul.f32 v2, v3;
	v13 =	vmul.f32 v9, v3;
	[tilespmem:s29+$0x7380] =	vst v8  }
0x2f: {  	v3 =	vmul.f32 v9, v5;
	v1 =	vmul.f32 v2, v6;
	[tilespmem:s29+$0x7180] =	vst v11  }
0x30: {  	v8 =	vmul.f32 v9, v6;
	[tilespmem:s29+$0x7200] =	vst v12;
	v11 =	vmul.f32 v7, v4  }
0x31: {  	s31 =	simm.s32 $0x1;
	v12 =	vmul.f32 v2, v4;
	[tilespmem:s29+$0x7100] =	vst v13;
	v6 =	vmul.f32 $5.773500200e-01, v1  }
.LBB2_3:
0x32: {  	p1 =	sne.s32 s31, $0x6F  }
0x33: {  	v13 =	vmul.f32 $5.773500200e-01, v3;
	v14 =	vmul.f32 $4.082500040e-01, v3;
	s30 =	sadd.s32 $0x10, s30;
	s2 =	smov.u32 s31;
	s31 =	sadd.s32 $0x1, s31  }
0x34: {  	v9 =	vmul.f32 v9, v4;
	v10 =	vmul.f32 $7.071099870e-01, v10  }
0x35: {  	v15 =	vmul.f32 $5.773500200e-01, v11;
	v11 =	vmul.f32 $8.165000080e-01, v11  }
0x36: {  	v7 =	vmul.f32 v7, v5;
	v12 =	vmul.f32 $7.071099870e-01, v12  }
0x37: {  	v16 =	vmul.f32 v0, v5;
	v11 =	vsub.f32 v11, v14;
	v14 =	vmul.f32 $4.082500040e-01, v1  }
0x38: {  	v7 =	vmul.f32 $7.071099870e-01, v7;
	v9 =	vmul.f32 $7.071099870e-01, v9;
	v17 =	vadd.f32 v12, v10  }
0x39: {  	v2 =	vmul.f32 v2, v5;
	v5 =	vsub.f32 v12, v10;
	v10 =	vsub.f32 v11, v14;
	[tilespmem:s29+$0x7280] =	vst v16  }
0x3a: {  	v0 =	vmul.f32 v0, v4;
	v4 =	vsub.f32 v7, v9;
	v7 =	vadd.f32 v7, v9;
	[tilespmem:s29+$0xAB00] =	vst v17  }
0x3b: {  	v8 =	vmul.f32 $7.071099870e-01, v8;
	v2 =	vmul.f32 $7.071099870e-01, v2;
	v9 =	vadd.f32 v15, v13;
	[tilespmem:s29+$0xAA80] =	vst v10  }
0x3c: {  	[tilespmem:s29+$0x7300] =	vst v0;
	v0 =	vmul.f32 $7.071099870e-01, v1  }
0x3d: {  	v3 =	vmul.f32 $7.071099870e-01, v3;
	v1 =	vadd.f32 v6, v9;
	[tilespmem:s29+$0xA800] =	vst v5;
	v5 =	vsub.f32 v8, v2  }
0x3e: {  	v2 =	vadd.f32 v2, v8;
	[tilespmem:s29+$0xA900] =	vst v4  }
0x3f: {  	v0 =	vsub.f32 v0, v3;
	[tilespmem:s29+$0xA880] =	vst v5  }
0x40: {  	[tilespmem:s29+$0x7080] =	vst v1  }
0x41: {  	s0 =	sshll.u32 s2, $0x6;
	[tilespmem:s29+$0xAA00] =	vst v7  }
0x42: {  	s7 =	sand.u32 $0x70, s30;
	s0 =	sand.u32 $0xFFFFFE00, s0;
	[tilespmem:s29+$0xA980] =	vst v2  }
0x43: {  	s0 =	sor.u32 s7, s0;
	[tilespmem:s29+$0xAB80] =	vst v0  }
0x44: {  	v3 =	vld [tilespmem:s0+$0x0]  }
0x45: {  	v0 =	vld [tilespmem:s0+$0x3800]  }
0x46: {  	v6 =	vld [tilespmem:s0+$0x180]  }
0x47: {  	v7 =	vld [tilespmem:s0+$0x3900]  }
0x48: {  	v2 =	vld [tilespmem:s0+$0x3980]  }
0x49: {  	s2 =	sshll.u32 s2, $0x7;
	v9 =	vld [tilespmem:s0+$0x3880]  }
0x4a: {  	s2 =	sand.u32 $0x3FFFFC00, s2;
	v5 =	vld [tilespmem:s0+$0x80];
	v1 =	vmul.f32 v0, v3  }
0x4b: {  	s29 =	sor.u32 s7, s2;
	v4 =	vld [tilespmem:s0+$0x100];
	v8 =	vmul.f32 v0, v6  }
.Ltmp0:
0x4c: {  	v10 =	vmul.f32 v7, v6;
	[tilespmem:s29+$0x7000] =	vst v1;
	v11 =	vmul.f32 v7, v3;
	(pc) =	sbr.rel @p1 .LBB2_3-.Ltmp0, $4  }
0x4d: {  	v1 =	vmul.f32 v2, v6;
	v12 =	vmul.f32 v2, v3;
	[tilespmem:s29+$0x7380] =	vst v8  }
0x4e: {  	v8 =	vmul.f32 v9, v6;
	v13 =	vmul.f32 v9, v3;
	[tilespmem:s29+$0x7180] =	vst v11  }
0x4f: {  	v3 =	vmul.f32 v9, v5;
	v6 =	vmul.f32 $5.773500200e-01, v1;
	[tilespmem:s29+$0x7200] =	vst v12  }
0x50: {  	v11 =	vmul.f32 v7, v4;
	v12 =	vmul.f32 v2, v4;
	[tilespmem:s29+$0x7100] =	vst v13  }
0x51: {  	v13 =	vmul.f32 $5.773500200e-01, v3;
	v14 =	vmul.f32 $4.082500040e-01, v3  }
0x52: {  	v10 =	vmul.f32 $7.071099870e-01, v10;
	v16 =	vmul.f32 v0, v5  }
0x53: {  	v9 =	vmul.f32 v9, v4;
	v2 =	vmul.f32 v2, v5  }
0x54: {  	v0 =	vmul.f32 v0, v4;
	v12 =	vmul.f32 $7.071099870e-01, v12  }
0x55: {  	v8 =	vmul.f32 $7.071099870e-01, v8;
	v15 =	vmul.f32 $8.165000080e-01, v11  }
0x56: {  	v11 =	vmul.f32 $5.773500200e-01, v11;
	[tilespmem:s29+$0x7280] =	vst v16;
	v2 =	vmul.f32 $7.071099870e-01, v2;
	v17 =	vadd.f32 v12, v10  }
0x57: {  	[tilespmem:s29+$0x7300] =	vst v0;
	v14 =	vsub.f32 v15, v14;
	v15 =	vmul.f32 $4.082500040e-01, v1;
	v4 =	vsub.f32 v12, v10  }
0x58: {  	v7 =	vmul.f32 v7, v5;
	v10 =	vadd.f32 v11, v13;
	v0 =	vsub.f32 v8, v2;
	[tilespmem:s29+$0xAB00] =	vst v17  }
0x59: {  	v3 =	vmul.f32 $7.071099870e-01, v3;
	v1 =	vmul.f32 $7.071099870e-01, v1;
	v5 =	vsub.f32 v14, v15;
	[tilespmem:s29+$0xA800] =	vst v4  }
0x5a: {  	v7 =	vmul.f32 $7.071099870e-01, v7;
	v9 =	vmul.f32 $7.071099870e-01, v9;
	v4 =	vadd.f32 v6, v10;
	[tilespmem:s29+$0xA880] =	vst v0  }
0x5b: {  	v1 =	vsub.f32 v1, v3;
	[tilespmem:s29+$0xAA80] =	vst v5  }
0x5c: {  	v5 =	vsub.f32 v7, v9;
	[tilespmem:s29+$0x7080] =	vst v4  }
0x5d: {  	v0 =	vadd.f32 v2, v8;
	[tilespmem:s29+$0xAB80] =	vst v1  }
0x5e: {  	s0 =	smul.u32 $0x700, s28;
	p1 =	seq.s32 s24, $0xD;
	[tilespmem:s29+$0xA900] =	vst v5;
	v5 =	vadd.f32 v7, v9  }
0x5f: {  	s2 =	sadd.s32 @!p1 s9, s26;
	[tilespmem:s29+$0xA980] =	vst v0  }
0x60: {  	s0 =	sadd.s32 s4, s0;
	s2 =	smul.u32 @!p1 $0xE, s2;
	[tilespmem:s29+$0xAA00] =	vst v5  }
0x61: {  	[hbm4b:s0+s11] =	stream.strided.scatter [tilespmem:s17], [sflag:$0x5], $0x7000, s16, s11, $0x38;
	[tilespmem:$0x15000] =	vst v63  }
0x62: {  	s0 =	smin.u32 @!p1 s2, $0x30C6  }
0x63: {  	s0 =	sshll.u32 @!p1 s0, $0x6  }
0x64: {  	s7 =	simm.s32 @!p1 $0x0;
	s2 =	sadd.s32 @!p1 s1, s0  }
0x65: {  	[tilespmem:s7], [sflag:$0x1] =	stream.linear.gather @!p1 [hbm4b:s2+s7], $0x1C00, $0x38;
	[tilespmem:$0x15000] =	vst v63  }
0x66: {  	s0 =	sadd.s32 @!p1 s3, s0;
	s2 =	simm.s32 @!p1 $0x3800  }
0x67: {  	[tilespmem:s2], [sflag:$0x3] =	stream.linear.gather @!p1 [hbm4b:s0+s7], $0x1C00, $0x38;
	[tilespmem:$0x15000] =	vst v63  }
0x68: {  	_ =	swait.ge [sflag:s18], $0x1C00  }
0x69: {  	[sflag:s18] =	ssyncset.done $0x0  }
0x6a: {  	[sflag:s18] =	ssyncadd.s32 $0xFFFFE400  }
0x6b: {  	_ =	swait.ge [sflag:s19], $0x1C00  }
0x6c: {  	[sflag:s19] =	ssyncset.done $0x0  }
0x6d: {  	s0 =	simm.s32 @!p0 $0x6;
	[sflag:s19] =	ssyncadd.s32 $0xFFFFE400  }
0x6e: {  	s28 =	simm.s32 $0x0;
	s7 =	simm.s32 $0x0;
	_ =	swait.ge @!p0 [sflag:s0], $0x7000  }
0x6f: {  	s26 =	sand.u32 $0x70, s28;
	s2 =	sand.u32 $0xFFFFFE00, s7;
	[sflag:s0] =	ssyncset.done @!p0 $0x0  }
0x70: {  	s30 =	sor.u32 s26, s2;
	[sflag:s0] =	ssyncadd.s32 @!p0 $0xFFFF9000  }
0x71: {  	v3 =	vld [tilespmem:s30+$0x1C00]  }
0x72: {  	v0 =	vld [tilespmem:s30+$0x5400]  }
0x73: {  	v6 =	vld [tilespmem:s30+$0x1D80]  }
0x74: {  	v7 =	vld [tilespmem:s30+$0x5500]  }
0x75: {  	v2 =	vld [tilespmem:s30+$0x5580]  }
0x76: {  	v9 =	vld [tilespmem:s30+$0x5480]  }
0x77: {  	s31 =	simm.s32 $0x0;
	v5 =	vld [tilespmem:s30+$0x1C80]  }
0x78: {  	s2 =	sand.u32 $0x3FFFFC00, s31;
	v4 =	vld [tilespmem:s30+$0x1D00];
	v1 =	vmul.f32 v0, v3  }
0x79: {  	s26 =	sor.u32 s26, s2;
	v8 =	vmul.f32 v0, v6  }
0x7a: {  	v10 =	vmul.f32 v7, v6;
	v11 =	vmul.f32 v7, v3;
	[tilespmem:s26+$0xE000] =	vst v1  }
0x7b: {  	v12 =	vmul.f32 v2, v3;
	v13 =	vmul.f32 v9, v3;
	[tilespmem:s26+$0xE380] =	vst v8  }
0x7c: {  	v3 =	vmul.f32 v9, v5;
	v1 =	vmul.f32 v2, v6;
	[tilespmem:s26+$0xE180] =	vst v11  }
0x7d: {  	v8 =	vmul.f32 v9, v6;
	[tilespmem:s26+$0xE200] =	vst v12;
	v11 =	vmul.f32 v7, v4  }
0x7e: {  	s29 =	simm.s32 $0x1;
	v12 =	vmul.f32 v2, v4;
	[tilespmem:s26+$0xE100] =	vst v13;
	v6 =	vmul.f32 $5.773500200e-01, v1  }
.LBB2_5:
0x7f: {  	p0 =	sne.s32 s29, $0x6F  }
0x80: {  	v13 =	vmul.f32 $5.773500200e-01, v3;
	v14 =	vmul.f32 $4.082500040e-01, v3;
	s28 =	sadd.s32 $0x10, s28;
	s2 =	smov.u32 s29;
	s29 =	sadd.s32 $0x1, s29  }
0x81: {  	v9 =	vmul.f32 v9, v4;
	v10 =	vmul.f32 $7.071099870e-01, v10  }
0x82: {  	v15 =	vmul.f32 $5.773500200e-01, v11;
	v11 =	vmul.f32 $8.165000080e-01, v11  }
0x83: {  	v7 =	vmul.f32 v7, v5;
	v12 =	vmul.f32 $7.071099870e-01, v12  }
0x84: {  	v16 =	vmul.f32 v0, v5;
	v11 =	vsub.f32 v11, v14;
	v14 =	vmul.f32 $4.082500040e-01, v1  }
0x85: {  	v7 =	vmul.f32 $7.071099870e-01, v7;
	v9 =	vmul.f32 $7.071099870e-01, v9;
	v17 =	vadd.f32 v12, v10  }
0x86: {  	v2 =	vmul.f32 v2, v5;
	v5 =	vsub.f32 v12, v10;
	v10 =	vsub.f32 v11, v14;
	[tilespmem:s26+$0xE280] =	vst v16  }
0x87: {  	v0 =	vmul.f32 v0, v4;
	v4 =	vsub.f32 v7, v9;
	v7 =	vadd.f32 v7, v9;
	[tilespmem:s26+$0x11B00] =	vst v17  }
0x88: {  	v8 =	vmul.f32 $7.071099870e-01, v8;
	v2 =	vmul.f32 $7.071099870e-01, v2;
	v9 =	vadd.f32 v15, v13;
	[tilespmem:s26+$0x11A80] =	vst v10  }
0x89: {  	[tilespmem:s26+$0xE300] =	vst v0;
	v0 =	vmul.f32 $7.071099870e-01, v1  }
0x8a: {  	v3 =	vmul.f32 $7.071099870e-01, v3;
	v1 =	vadd.f32 v6, v9;
	[tilespmem:s26+$0x11800] =	vst v5;
	v5 =	vsub.f32 v8, v2  }
0x8b: {  	v2 =	vadd.f32 v2, v8;
	[tilespmem:s26+$0x11900] =	vst v4  }
0x8c: {  	v0 =	vsub.f32 v0, v3;
	[tilespmem:s26+$0x11880] =	vst v5  }
0x8d: {  	[tilespmem:s26+$0xE080] =	vst v1  }
0x8e: {  	s0 =	sshll.u32 s2, $0x6;
	[tilespmem:s26+$0x11A00] =	vst v7  }
0x8f: {  	s7 =	sand.u32 $0x70, s28;
	s0 =	sand.u32 $0xFFFFFE00, s0;
	[tilespmem:s26+$0x11980] =	vst v2  }
0x90: {  	s0 =	sor.u32 s7, s0;
	[tilespmem:s26+$0x11B80] =	vst v0  }
0x91: {  	v3 =	vld [tilespmem:s0+$0x1C00]  }
0x92: {  	v0 =	vld [tilespmem:s0+$0x5400]  }
0x93: {  	v6 =	vld [tilespmem:s0+$0x1D80]  }
0x94: {  	v7 =	vld [tilespmem:s0+$0x5500]  }
0x95: {  	v2 =	vld [tilespmem:s0+$0x5580]  }
0x96: {  	s2 =	sshll.u32 s2, $0x7;
	v9 =	vld [tilespmem:s0+$0x5480]  }
0x97: {  	s2 =	sand.u32 $0x3FFFFC00, s2;
	v5 =	vld [tilespmem:s0+$0x1C80];
	v1 =	vmul.f32 v0, v3  }
0x98: {  	s26 =	sor.u32 s7, s2;
	v4 =	vld [tilespmem:s0+$0x1D00];
	v8 =	vmul.f32 v0, v6  }
.Ltmp1:
0x99: {  	v10 =	vmul.f32 v7, v6;
	[tilespmem:s26+$0xE000] =	vst v1;
	v11 =	vmul.f32 v7, v3;
	(pc) =	sbr.rel @p0 .LBB2_5-.Ltmp1, $4  }
0x9a: {  	v1 =	vmul.f32 v2, v6;
	v12 =	vmul.f32 v2, v3;
	[tilespmem:s26+$0xE380] =	vst v8  }
0x9b: {  	v8 =	vmul.f32 v9, v6;
	v13 =	vmul.f32 v9, v3;
	[tilespmem:s26+$0xE180] =	vst v11  }
0x9c: {  	v3 =	vmul.f32 v9, v5;
	v6 =	vmul.f32 $5.773500200e-01, v1;
	[tilespmem:s26+$0xE200] =	vst v12  }
0x9d: {  	v11 =	vmul.f32 v7, v4;
	v12 =	vmul.f32 v2, v4;
	[tilespmem:s26+$0xE100] =	vst v13  }
0x9e: {  	v10 =	vmul.f32 $7.071099870e-01, v10;
	v7 =	vmul.f32 v7, v5  }
0x9f: {  	v16 =	vmul.f32 v0, v5;
	v9 =	vmul.f32 v9, v4  }
0xa0: {  	v61 =	vmul.f32 $7.071099870e-01, v1;
	v62 =	vmul.f32 $7.071099870e-01, v3  }
0xa1: {  	v54 =	vmul.f32 v0, v4;
	v12 =	vmul.f32 $7.071099870e-01, v12  }
0xa2: {  	v51 =	vmul.f32 $4.082500040e-01, v1;
	v2 =	vmul.f32 v2, v5;
	[tilespmem:s26+$0xE280] =	vst v16;
	v1 =	vsub.f32 v61, v62  }
0xa3: {  	v7 =	vmul.f32 $7.071099870e-01, v7;
	v9 =	vmul.f32 $7.071099870e-01, v9;
	[tilespmem:s26+$0xE300] =	vst v54;
	v17 =	vadd.f32 v12, v10  }
0xa4: {  	v8 =	vmul.f32 $7.071099870e-01, v8;
	v2 =	vmul.f32 $7.071099870e-01, v2;
	v55 =	vsub.f32 v12, v10;
	[tilespmem:s26+$0x11B80] =	vst v1  }
0xa5: {  	v14 =	vmul.f32 $4.082500040e-01, v3;
	v15 =	vmul.f32 $8.165000080e-01, v11;
	v56 =	vsub.f32 v7, v9;
	[tilespmem:s26+$0x11B00] =	vst v17  }
0xa6: {  	v13 =	vmul.f32 $5.773500200e-01, v3;
	v52 =	vmul.f32 $5.773500200e-01, v11;
	v58 =	vsub.f32 v8, v2;
	[tilespmem:s26+$0x11800] =	vst v55  }
0xa7: {  	s24 =	sadd.s32 $0x1, s24;
	v14 =	vsub.f32 v15, v14;
	v60 =	vadd.f32 v7, v9;
	[tilespmem:s26+$0x11900] =	vst v56  }
0xa8: {  	p0 =	sne.s32 s24, $0xE;
	v57 =	vadd.f32 v52, v13;
	v63 =	vadd.f32 v2, v8;
	[tilespmem:s26+$0x11880] =	vst v58  }
.Ltmp2:
0xa9: {  	v53 =	vsub.f32 v14, v51;
	[tilespmem:s26+$0x11A00] =	vst v60;
	(pc) =	sbr.rel @p0 .LBB2_2-.Ltmp2, $4  }
0xaa: {  	v59 =	vadd.f32 v6, v57;
	[tilespmem:s26+$0x11980] =	vst v63  }
0xab: {  	s0 =	sshll.u32 s25, $0x7;
	[tilespmem:s26+$0x11A80] =	vst v53  }
0xac: {  	s0 =	sadd.s32 s4, s0;
	[tilespmem:s26+$0xE080] =	vst v59  }
0xad: {  	[hbm4b:s0+s11] =	stream.strided.scatter [tilespmem:s20], [sflag:$0x6], $0x7000, s16, s11, $0x38;
	[tilespmem:$0x15000] =	vst v63  }
0xae: {  	s23 =	sadd.s32 $0x1, s23  }
0xaf: {  	_ =	swait.ge [sflag:s21], $0x7000;
	p0 =	sne.s32 s23, s10  }
.Ltmp3:
0xb0: {  	[sflag:s21] =	ssyncset.done $0x0;
	(pc) =	sbr.rel @p0 .LBB2_1-.Ltmp3, $4  }
0xb1: {  	[sflag:s21] =	ssyncadd.s32 $0xFFFF9000  }
0xb2: {  	_ =	swait.ge [sflag:s22], $0x7000  }
0xb3: {  	[sflag:s22] =	ssyncset.done $0x0  }
0xb4: {  	[sflag:s22] =	ssyncadd.s32 $0xFFFF9000  }
0xb5: {  	_ =	sfence.sel $0x180000  }
0xb6: {  	[bflag:$0x0] =	sbarrier.arrive $0xFFFF  }
0xb7: {  	_ =	strace $0x90000047  }
0xb8: {  	s0 =	stileid.u32;
	[bflag:$0x2] =	sbarrier.arrive $0xFFFF  }
0xb9: {  	p0 =	sne.s32 s0, $0x0;
	s0 =	rddreg [dreg:$0x3]  }
0xba: {  	s0 =	sadd.s32 @!p0 $0x100000, s0  }
0xbb: {  	[sflag:s0] =	ssyncadd.tile.s32 @!p0 $0x1;
	_ =	shalt  }
.Lfunc_end2:
_tile_overlayer_lowered:
.L_overlay_start_2:
0xbc: {  	(tag) =	ssettag $0x2  }
0xbd: {  	s0 =	rddreg [dreg:$0x0];
	s2 =	stileid.u32  }
0xbe: {  	s1 =	rddreg [dreg:$0x1];
	p0 =	sne.s32 s2, $0x0  }
0xbf: {  	s3 =	rddreg [dreg:$0x2];
	[bflag:$0x3] =	sbarrier.arrive $0xFFFF;
	s2 =	simm.s32 @!p0 $0x1C07  }
0xc0: {  	[timem:s3], [sflag:s2] =	dma.local @!p0 [hbm:s0], s1  }
0xc1: {  	s0 =	simm.s32 @!p0 $0x7  }
0xc2: {  	_ =	swait.ge @!p0 [sflag:s0], s1  }
0xc3: {  	s1 =	ssub.s32 @!p0 $0x0, s1;
	[sflag:s0] =	ssyncset.done @!p0 $0x0  }
0xc4: {  	[sflag:s0] =	ssyncadd.s32 @!p0 s1  }
0xc5: {  	[bflag:$0x3] =	sbarrier.arrive $0xFFFF  }
0xc6: {  	_ =	shalt  }

</sc_bundles>
